<compile_context>
chip_gen: v7x
topology: tpu7x:2x2x1
jax: 0.10.2.dev20260603
libtpu: 0.0.44.dev20260713+nightly
codegen_flags: <defaults>
</compile_context>

<pallas_src>
import functools

import jax
import jax.numpy as jnp
from jax import lax
from jax.experimental import pallas as pl
from jax.experimental.pallas import tpu as pltpu
from jax.experimental.pallas import tpu_sc as plsc

N = 2226
E = 6525
R = 1800

NC = 1
NS = 16
NW = NC * NS

PER_R = 128
PER_E = 416
PER_N = 144

S_REFL = PER_R
S_LENE = PER_E + 5
S_EDGE = 2 * PER_E + 2
S_NODE = PER_N + 2
S_N10W = 10 * PER_N + 4


def _align8(x):
    return (x + 7) // 8 * 8


O_N10 = 0
O_ROPE = _align8(O_N10 + 10 * N)
O_LENE = _align8(O_ROPE + N)
O_REFL = _align8(O_LENE + E)
O_EDGE = _align8(O_REFL + R)
O_CONST = _align8(O_EDGE + 2 * E)
F_TOTAL = O_CONST + 16

_F32 = jnp.float32
_I32 = jnp.int32


def _sqrt16(ss):
    i = lax.bitcast_convert_type(ss, _I32)
    y = lax.bitcast_convert_type(
        jnp.int32(0x5F3759DF) - lax.shift_right_logical(i, 1), _F32)
    for _ in range(3):
        y = y * (1.5 - 0.5 * ss * y * y)
    return jnp.where(ss > 0.0, ss * y, 0.0)


def _body(fbuf_h,
          loss_o, c_o, ceq_o, stre_o,
          n10_v, n10w_v, rope_v, refl_v, edge_v, lene_v,
          consts_v,
          loss_s, c_s, ceq_s, stre_s, sem_a, sem_b):
    wid = lax.axis_index("s") * NC + lax.axis_index("c")

    base_r = wid * PER_R
    base_e = wid * PER_E
    base_n = wid * PER_N

    b_refl = jnp.minimum(base_r, R - S_REFL)
    b_lene = jnp.minimum(base_e, E - S_LENE)
    b_edge = jnp.minimum(2 * base_e, 2 * E - S_EDGE)
    b_node = jnp.minimum(base_n, N - S_NODE)
    b_n10w = jnp.minimum(10 * base_n, 10 * N - S_N10W)

    h_a = pltpu.async_copy(fbuf_h.at[pl.ds(O_N10, 10 * N)], n10_v, sem_a)
    pairs = [
        (fbuf_h.at[pl.ds(O_N10 + b_n10w, S_N10W)], n10w_v),
        (fbuf_h.at[pl.ds(O_ROPE + b_node, S_NODE)], rope_v),
        (fbuf_h.at[pl.ds(O_LENE + b_lene, S_LENE)], lene_v),
        (fbuf_h.at[pl.ds(O_CONST, 16)], consts_v),
        (fbuf_h.at[pl.ds(O_REFL + b_refl, S_REFL)], refl_v),
        (fbuf_h.at[pl.ds(O_EDGE + b_edge, S_EDGE)], edge_v),
    ]
    handles = [pltpu.async_copy(src, dst, sem_b) for src, dst in pairs]
    for h in handles:
        h.wait()

    iota = lax.iota(_I32, 16)

    cv = consts_v[...]
    r00, r01, r02 = cv[0], cv[1], cv[2]
    r10, r11, r12 = cv[3], cv[4], cv[5]
    r20, r21, r22 = cv[6], cv[7], cv[8]
    fx, fy, fz = cv[9], cv[10], cv[11]
    bias2 = cv[12] * 2.0 + 440.0

    def _node_chunk(j, _):
        ii = jnp.minimum(base_n + j * 16 + iota, N - 1)
        i10 = ii * 10 - b_n10w
        s = plsc.load_gather(n10w_v, [i10 + 9])
        rx = (plsc.load_gather(n10w_v, [i10 + 3])
              + plsc.load_gather(n10w_v, [i10 + 6]) * s
              - plsc.load_gather(n10w_v, [i10]))
        ry = (plsc.load_gather(n10w_v, [i10 + 4])
              + plsc.load_gather(n10w_v, [i10 + 7]) * s
              - plsc.load_gather(n10w_v, [i10 + 1]))
        rz = (plsc.load_gather(n10w_v, [i10 + 5])
              + plsc.load_gather(n10w_v, [i10 + 8]) * s
              - plsc.load_gather(n10w_v, [i10 + 2]))
        nn = _sqrt16(rx * rx + ry * ry + rz * rz)
        lr = plsc.load_gather(rope_v, [ii - b_node])
        ceq_s[pl.ds(j * 16, 16)] = jnp.abs(lr - nn) * 100.0
        stre_s[pl.ds(j * 16, 16)] = jnp.maximum(jnp.abs(s) - 0.6, 0.0)
        return 0

    lax.fori_loop(0, PER_N // 16, _node_chunk, 0, unroll=False)

    h_a.wait()

    def _loss_chunk(j, _):
        ii = jnp.minimum(base_r + j * 16 + iota, R - 1)
        ridx = plsc.load_gather(refl_v, [ii - b_refl]).astype(_I32) * 10
        px = plsc.load_gather(n10_v, [ridx])
        py = plsc.load_gather(n10_v, [ridx + 1])
        pz = plsc.load_gather(n10_v, [ridx + 2])
        rx = px * r00 + py * r10 + pz * r20
        ry = px * r01 + py * r11 + pz * r21
        rz = px * r02 + py * r12 + pz * r22
        ex = rx - fx
        ey = ry - fy
        ez = rz - fz
        dis = _sqrt16(ex * ex + ey * ey + ez * ez)
        t = jnp.abs(dis - (rz + bias2)) - 1.0
        loss_s[pl.ds(j * 16, 16)] = jnp.maximum(t, 0.0)
        return 0

    lax.fori_loop(0, PER_R // 16, _loss_chunk, 0, unroll=False)

    def _edge_chunk(j, _):
        ii = jnp.minimum(base_e + j * 16 + iota, E - 1)
        ia = plsc.load_gather(edge_v, [ii * 2 - b_edge]).astype(_I32) * 10
        ib = plsc.load_gather(edge_v, [ii * 2 + 1 - b_edge]).astype(_I32) * 10
        dx = plsc.load_gather(n10_v, [ia]) - plsc.load_gather(n10_v, [ib])
        dy = (plsc.load_gather(n10_v, [ia + 1])
              - plsc.load_gather(n10_v, [ib + 1]))
        dz = (plsc.load_gather(n10_v, [ia + 2])
              - plsc.load_gather(n10_v, [ib + 2]))
        lens = _sqrt16(dx * dx + dy * dy + dz * dz)
        le = plsc.load_gather(lene_v, [ii - b_lene])
        c = jnp.maximum(jnp.abs(lens - le) - 0.007 * le, 0.0) * 100.0
        c_s[pl.ds(j * 16, 16)] = c
        return 0

    lax.fori_loop(0, PER_E // 16, _edge_chunk, 0, unroll=False)

    pltpu.sync_copy(loss_s, loss_o.at[pl.ds(base_r, PER_R)])
    pltpu.sync_copy(c_s, c_o.at[pl.ds(base_e, PER_E)])
    pltpu.sync_copy(ceq_s, ceq_o.at[pl.ds(base_n, PER_N)])
    pltpu.sync_copy(stre_s, stre_o.at[pl.ds(base_n, PER_N)])


_sc_call = functools.partial(
    pl.kernel,
    out_type=[
        jax.ShapeDtypeStruct((NW * PER_R,), _F32),
        jax.ShapeDtypeStruct((NW * PER_E,), _F32),
        jax.ShapeDtypeStruct((NW * PER_N,), _F32),
        jax.ShapeDtypeStruct((NW * PER_N,), _F32),
    ],
    mesh=plsc.VectorSubcoreMesh(core_axis_name="c", subcore_axis_name="s",
                                num_cores=NC, num_subcores=NS),
    compiler_params=pltpu.CompilerParams(needs_layout_passes=False),
    scratch_types=[
        pltpu.VMEM((N * 10,), _F32),
        pltpu.VMEM((S_N10W,), _F32),
        pltpu.VMEM((S_NODE,), _F32),
        pltpu.VMEM((S_REFL,), _F32),
        pltpu.VMEM((S_EDGE,), _F32),
        pltpu.VMEM((S_LENE,), _F32),
        pltpu.VMEM((16,), _F32),
        pltpu.VMEM((PER_R,), _F32),
        pltpu.VMEM((PER_E,), _F32),
        pltpu.VMEM((PER_N,), _F32),
        pltpu.VMEM((PER_N,), _F32),
        pltpu.SemaphoreType.DMA,
        pltpu.SemaphoreType.DMA,
    ],
)(_body)


def _zpad(k):
    return jnp.zeros((k,), _F32)


def _flat2(x, m):
    ar = jnp.arange(x.shape[0] * m, dtype=_I32)
    return x[ar // m, ar % m]


def kernel(pos, stretch, bias, rotm, direction, focus, len_edges, act_up,
           len_rope, refl_idx, all_edges):
    n10 = jnp.concatenate([pos, act_up, direction, stretch], axis=1)
    fbuf = jnp.concatenate([
        n10.reshape(-1), _zpad(O_ROPE - (O_N10 + 10 * N)),
        len_rope, _zpad(O_LENE - (O_ROPE + N)),
        len_edges, _zpad(O_REFL - (O_LENE + E)),
        refl_idx.astype(_F32), _zpad(O_EDGE - (O_REFL + R)),
        all_edges.astype(_I32).reshape(-1).astype(_F32),
        _zpad(O_CONST - (O_EDGE + 2 * E)),
        rotm.reshape(-1), focus, bias, _zpad(3),
    ])
    loss_p, c_p, ceq_p, stre_p = _sc_call(fbuf)
    return jnp.concatenate([loss_p[:R], c_p[:E], ceq_p[:N], stre_p[:N]])

# --- scband reference (transcript-rebuilt; emitter-appended) ---
"""Pipeline reference for scband-my-model-24008867185068 (READ-ONLY COPY).

The authoritative reference and input builder live on the scoring server;
editing this copy changes nothing except your own understanding.
"""

import jax, jax.numpy as jnp
import numpy as np

N = 2226
E = 6525
R_NODES = 1800


def setup_inputs(seed: int = 0) -> dict:
    key = jax.random.key(seed)
    ks = jax.random.split(key, 8)
    pos = jax.random.normal(ks[0], (N, 3), dtype=jnp.float32) * 100.0
    stretch = jnp.zeros((N, 1), dtype=jnp.float32)
    bias = jnp.zeros((1,), dtype=jnp.float32)
    rotm = jax.random.normal(ks[1], (3, 3), dtype=jnp.float32)
    d = jax.random.normal(ks[2], (N, 3), dtype=jnp.float32)
    direction = d / jnp.linalg.norm(d, axis=1, keepdims=True)
    focus = jnp.array([0.0, 0.0, -0.534 * 300.0], dtype=jnp.float32)
    len_edges = jax.random.uniform(ks[3], (E,), dtype=jnp.float32, minval=0.5, maxval=15.0)
    act_up = jax.random.normal(ks[4], (N, 3), dtype=jnp.float32) * 100.0
    len_rope = jax.random.uniform(ks[5], (N,), dtype=jnp.float32, minval=1.0, maxval=10.0)
    refl_idx = jax.random.randint(ks[6], (R_NODES,), 0, N, dtype=jnp.int32).astype(jnp.int64)
    all_edges = jax.random.randint(ks[7], (E, 2), 0, N, dtype=jnp.int32).astype(jnp.int64)
    return {"pos": pos, "stretch": stretch, "bias": bias, "rotm": rotm,
            "direction": direction, "focus": focus, "len_edges": len_edges,
            "act_up": act_up, "len_rope": len_rope, "refl_idx": refl_idx,
            "all_edges": all_edges}


def _norm3(v):
    return jnp.sqrt(jnp.square(v[:, 0]) + jnp.square(v[:, 1]) + jnp.square(v[:, 2]))


def reference(pos, stretch, bias, rotm, direction, focus, len_edges, act_up, len_rope, refl_idx, all_edges):
    # pos_r = pos[refl_idx] @ rotm  (gather + small matmul)
    pos_r = jnp.take(pos, refl_idx, axis=0) @ rotm
    rel_pos = pos_r - focus
    dis_node_focus = _norm3(rel_pos)
    loss = jax.nn.relu(jnp.abs(dis_node_focus - (pos_r[:, 2] + 440.0 + bias * 2.0)) - 1.0)
    # edge length constraints: gather both endpoints
    rel_nodes = jnp.take(pos, all_edges[:, 0], axis=0) - jnp.take(pos, all_edges[:, 1], axis=0)
    lens = _norm3(rel_nodes)
    c = jax.nn.relu(jnp.abs(lens - len_edges) - 0.007 * len_edges) * 100.0
    # rope length equality constraints
    act_up_now = act_up + direction * stretch  # stretch [N,1] broadcasts like repeat(1,3)
    rel_rope = act_up_now - pos
    ceq = jnp.abs(len_rope - _norm3(rel_rope)) * 100.0
    stre_bound = jax.nn.relu(jnp.abs(stretch) - 0.6).squeeze()
    return jnp.concatenate((loss, c, ceq, stre_bound), axis=0)

if __name__ == "__main__":
    import jax
    _d = setup_inputs()
    print(jax.jit(kernel)(*tuple(_d.values())))

</pallas_src>

<mosaic_0001>
#map = affine_map<(d0, d1) -> (0)>
module attributes {stable_mosaic.version = 14 : i64} {
  func.func @_body(%arg0: i32, %arg1: i32, %arg2: memref<45896xf32, #tpu.memory_space<hbm>>, %arg3: memref<2048xf32, #tpu.memory_space<hbm>>, %arg4: memref<6656xf32, #tpu.memory_space<hbm>>, %arg5: memref<2304xf32, #tpu.memory_space<hbm>>, %arg6: memref<2304xf32, #tpu.memory_space<hbm>>, %arg7: memref<22260xf32, #tpu.memory_space<vmem>>, %arg8: memref<1444xf32, #tpu.memory_space<vmem>>, %arg9: memref<146xf32, #tpu.memory_space<vmem>>, %arg10: memref<128xf32, #tpu.memory_space<vmem>>, %arg11: memref<834xf32, #tpu.memory_space<vmem>>, %arg12: memref<421xf32, #tpu.memory_space<vmem>>, %arg13: memref<16xf32, #tpu.memory_space<vmem>>, %arg14: memref<128xf32, #tpu.memory_space<vmem>>, %arg15: memref<416xf32, #tpu.memory_space<vmem>>, %arg16: memref<144xf32, #tpu.memory_space<vmem>>, %arg17: memref<144xf32, #tpu.memory_space<vmem>>, %arg18: memref<!tpu.dma_semaphore, #tpu.memory_space<semaphore_mem>>, %arg19: memref<!tpu.dma_semaphore, #tpu.memory_space<semaphore_mem>>) attributes {dimension_semantics = [#tpu.dimension_semantics<core_parallel>, #tpu.dimension_semantics<subcore_parallel>], iteration_bounds = array<i64: 1, 16>, scalar_prefetch = 0 : i64, scratch_operands = 13 : i64, tpu.core_type = #tpu.core_type<sc_vector_subcore>, window_params = [{transform_indices = #map}, {transform_indices = #map}, {transform_indices = #map}, {transform_indices = #map}, {transform_indices = #map}]} {
    %mul3A = arith.constant 1 : i32
    %mul3A_0 = arith.muli %arg1, %mul3A : i32
    %add3A = arith.addi %mul3A_0, %arg0 : i32
    %mul3A_1 = arith.constant 128 : i32
    %mul3A_2 = arith.muli %add3A, %mul3A_1 : i32
    %mul3A_3 = arith.constant 416 : i32
    %mul3A_4 = arith.muli %add3A, %mul3A_3 : i32
    %mul3A_5 = arith.constant 144 : i32
    %mul3A_6 = arith.muli %add3A, %mul3A_5 : i32
    %min3A = arith.constant 1672 : i32
    %min3A_7 = arith.minsi %mul3A_2, %min3A : i32
    %min3A_8 = arith.constant 6104 : i32
    %min3A_9 = arith.minsi %mul3A_4, %min3A_8 : i32
    %mul3A_10 = arith.constant 2 : i32
    %mul3A_11 = arith.muli %mul3A_10, %mul3A_4 : i32
    %min3A_12 = arith.constant 12216 : i32
    %min3A_13 = arith.minsi %mul3A_11, %min3A_12 : i32
    %min3A_14 = arith.constant 2080 : i32
    %min3A_15 = arith.minsi %mul3A_6, %min3A_14 : i32
    %mul3A_16 = arith.constant 10 : i32
    %mul3A_17 = arith.muli %mul3A_16, %mul3A_6 : i32
    %min3A_18 = arith.constant 20816 : i32
    %min3A_19 = arith.minsi %mul3A_17, %min3A_18 : i32
    %dma_start3A = arith.constant 0 : i32
    %dma_start3A_20 = tpu.memref_slice %arg2[%dma_start3A] : memref<45896xf32, #tpu.memory_space<hbm>> -> memref<22260xf32, #tpu.memory_space<hbm>>
    %dma_start3A_21 = arith.constant 0 : i32
    %dma_start3A_22 = tpu.memref_slice %arg2[%dma_start3A_21] : memref<45896xf32, #tpu.memory_space<hbm>> -> memref<22260xf32, #tpu.memory_space<hbm>>
    tpu.enqueue_dma source(%dma_start3A_22 : memref<22260xf32, #tpu.memory_space<hbm>>) target(%arg7 : memref<22260xf32, #tpu.memory_space<vmem>>) target_semaphore(%arg18 : memref<!tpu.dma_semaphore, #tpu.memory_space<semaphore_mem>>)
    %add3A_23 = arith.constant 0 : i32
    %add3A_24 = arith.addi %add3A_23, %min3A_19 : i32
    %add3A_25 = arith.constant 22264 : i32
    %add3A_26 = arith.addi %add3A_25, %min3A_15 : i32
    %add3A_27 = arith.constant 24496 : i32
    %add3A_28 = arith.addi %add3A_27, %min3A_9 : i32
    %add3A_29 = arith.constant 31024 : i32
    %add3A_30 = arith.addi %add3A_29, %min3A_7 : i32
    %add3A_31 = arith.constant 32824 : i32
    %add3A_32 = arith.addi %add3A_31, %min3A_13 : i32
    %dma_start3A_33 = tpu.memref_slice %arg2[%add3A_24] : memref<45896xf32, #tpu.memory_space<hbm>> -> memref<1444xf32, #tpu.memory_space<hbm>>
    %dma_start3A_34 = tpu.memref_slice %arg2[%add3A_24] : memref<45896xf32, #tpu.memory_space<hbm>> -> memref<1444xf32, #tpu.memory_space<hbm>>
    tpu.enqueue_dma source(%dma_start3A_34 : memref<1444xf32, #tpu.memory_space<hbm>>) target(%arg8 : memref<1444xf32, #tpu.memory_space<vmem>>) target_semaphore(%arg19 : memref<!tpu.dma_semaphore, #tpu.memory_space<semaphore_mem>>)
    %dma_start3A_35 = tpu.memref_slice %arg2[%add3A_26] : memref<45896xf32, #tpu.memory_space<hbm>> -> memref<146xf32, #tpu.memory_space<hbm>>
    %dma_start3A_36 = tpu.memref_slice %arg2[%add3A_26] : memref<45896xf32, #tpu.memory_space<hbm>> -> memref<146xf32, #tpu.memory_space<hbm>>
    tpu.enqueue_dma source(%dma_start3A_36 : memref<146xf32, #tpu.memory_space<hbm>>) target(%arg9 : memref<146xf32, #tpu.memory_space<vmem>>) target_semaphore(%arg19 : memref<!tpu.dma_semaphore, #tpu.memory_space<semaphore_mem>>)
    %dma_start3A_37 = tpu.memref_slice %arg2[%add3A_28] : memref<45896xf32, #tpu.memory_space<hbm>> -> memref<421xf32, #tpu.memory_space<hbm>>
    %dma_start3A_38 = tpu.memref_slice %arg2[%add3A_28] : memref<45896xf32, #tpu.memory_space<hbm>> -> memref<421xf32, #tpu.memory_space<hbm>>
    tpu.enqueue_dma source(%dma_start3A_38 : memref<421xf32, #tpu.memory_space<hbm>>) target(%arg12 : memref<421xf32, #tpu.memory_space<vmem>>) target_semaphore(%arg19 : memref<!tpu.dma_semaphore, #tpu.memory_space<semaphore_mem>>)
    %dma_start3A_39 = arith.constant 45880 : i32
    %dma_start3A_40 = tpu.memref_slice %arg2[%dma_start3A_39] : memref<45896xf32, #tpu.memory_space<hbm>> -> memref<16xf32, #tpu.memory_space<hbm>>
    %dma_start3A_41 = arith.constant 45880 : i32
    %dma_start3A_42 = tpu.memref_slice %arg2[%dma_start3A_41] : memref<45896xf32, #tpu.memory_space<hbm>> -> memref<16xf32, #tpu.memory_space<hbm>>
    tpu.enqueue_dma source(%dma_start3A_42 : memref<16xf32, #tpu.memory_space<hbm>>) target(%arg13 : memref<16xf32, #tpu.memory_space<vmem>>) target_semaphore(%arg19 : memref<!tpu.dma_semaphore, #tpu.memory_space<semaphore_mem>>)
    %dma_start3A_43 = tpu.memref_slice %arg2[%add3A_30] : memref<45896xf32, #tpu.memory_space<hbm>> -> memref<128xf32, #tpu.memory_space<hbm>>
    %dma_start3A_44 = tpu.memref_slice %arg2[%add3A_30] : memref<45896xf32, #tpu.memory_space<hbm>> -> memref<128xf32, #tpu.memory_space<hbm>>
    tpu.enqueue_dma source(%dma_start3A_44 : memref<128xf32, #tpu.memory_space<hbm>>) target(%arg10 : memref<128xf32, #tpu.memory_space<vmem>>) target_semaphore(%arg19 : memref<!tpu.dma_semaphore, #tpu.memory_space<semaphore_mem>>)
    %dma_start3A_45 = tpu.memref_slice %arg2[%add3A_32] : memref<45896xf32, #tpu.memory_space<hbm>> -> memref<834xf32, #tpu.memory_space<hbm>>
    %dma_start3A_46 = tpu.memref_slice %arg2[%add3A_32] : memref<45896xf32, #tpu.memory_space<hbm>> -> memref<834xf32, #tpu.memory_space<hbm>>
    tpu.enqueue_dma source(%dma_start3A_46 : memref<834xf32, #tpu.memory_space<hbm>>) target(%arg11 : memref<834xf32, #tpu.memory_space<vmem>>) target_semaphore(%arg19 : memref<!tpu.dma_semaphore, #tpu.memory_space<semaphore_mem>>)
    %dma_wait3A = tpu.memref_slice %arg2[%add3A_24] : memref<45896xf32, #tpu.memory_space<hbm>> -> memref<1444xf32, #tpu.memory_space<hbm>>
    %dma_wait3A_47 = tpu.memref_slice %arg2[%add3A_24] : memref<45896xf32, #tpu.memory_space<hbm>> -> memref<1444xf32, #tpu.memory_space<hbm>>
    tpu.wait_dma2 semaphore(%arg19 : memref<!tpu.dma_semaphore, #tpu.memory_space<semaphore_mem>>) src(%dma_wait3A_47 : memref<1444xf32, #tpu.memory_space<hbm>>) dst(%arg8 : memref<1444xf32, #tpu.memory_space<vmem>>)
    %dma_wait3A_48 = tpu.memref_slice %arg2[%add3A_26] : memref<45896xf32, #tpu.memory_space<hbm>> -> memref<146xf32, #tpu.memory_space<hbm>>
    %dma_wait3A_49 = tpu.memref_slice %arg2[%add3A_26] : memref<45896xf32, #tpu.memory_space<hbm>> -> memref<146xf32, #tpu.memory_space<hbm>>
    tpu.wait_dma2 semaphore(%arg19 : memref<!tpu.dma_semaphore, #tpu.memory_space<semaphore_mem>>) src(%dma_wait3A_49 : memref<146xf32, #tpu.memory_space<hbm>>) dst(%arg9 : memref<146xf32, #tpu.memory_space<vmem>>)
    %dma_wait3A_50 = tpu.memref_slice %arg2[%add3A_28] : memref<45896xf32, #tpu.memory_space<hbm>> -> memref<421xf32, #tpu.memory_space<hbm>>
    %dma_wait3A_51 = tpu.memref_slice %arg2[%add3A_28] : memref<45896xf32, #tpu.memory_space<hbm>> -> memref<421xf32, #tpu.memory_space<hbm>>
    tpu.wait_dma2 semaphore(%arg19 : memref<!tpu.dma_semaphore, #tpu.memory_space<semaphore_mem>>) src(%dma_wait3A_51 : memref<421xf32, #tpu.memory_space<hbm>>) dst(%arg12 : memref<421xf32, #tpu.memory_space<vmem>>)
    %dma_wait3A_52 = arith.constant 45880 : i32
    %dma_wait3A_53 = tpu.memref_slice %arg2[%dma_wait3A_52] : memref<45896xf32, #tpu.memory_space<hbm>> -> memref<16xf32, #tpu.memory_space<hbm>>
    %dma_wait3A_54 = arith.constant 45880 : i32
    %dma_wait3A_55 = tpu.memref_slice %arg2[%dma_wait3A_54] : memref<45896xf32, #tpu.memory_space<hbm>> -> memref<16xf32, #tpu.memory_space<hbm>>
    tpu.wait_dma2 semaphore(%arg19 : memref<!tpu.dma_semaphore, #tpu.memory_space<semaphore_mem>>) src(%dma_wait3A_55 : memref<16xf32, #tpu.memory_space<hbm>>) dst(%arg13 : memref<16xf32, #tpu.memory_space<vmem>>)
    %dma_wait3A_56 = tpu.memref_slice %arg2[%add3A_30] : memref<45896xf32, #tpu.memory_space<hbm>> -> memref<128xf32, #tpu.memory_space<hbm>>
    %dma_wait3A_57 = tpu.memref_slice %arg2[%add3A_30] : memref<45896xf32, #tpu.memory_space<hbm>> -> memref<128xf32, #tpu.memory_space<hbm>>
    tpu.wait_dma2 semaphore(%arg19 : memref<!tpu.dma_semaphore, #tpu.memory_space<semaphore_mem>>) src(%dma_wait3A_57 : memref<128xf32, #tpu.memory_space<hbm>>) dst(%arg10 : memref<128xf32, #tpu.memory_space<vmem>>)
    %dma_wait3A_58 = tpu.memref_slice %arg2[%add3A_32] : memref<45896xf32, #tpu.memory_space<hbm>> -> memref<834xf32, #tpu.memory_space<hbm>>
    %dma_wait3A_59 = tpu.memref_slice %arg2[%add3A_32] : memref<45896xf32, #tpu.memory_space<hbm>> -> memref<834xf32, #tpu.memory_space<hbm>>
    tpu.wait_dma2 semaphore(%arg19 : memref<!tpu.dma_semaphore, #tpu.memory_space<semaphore_mem>>) src(%dma_wait3A_59 : memref<834xf32, #tpu.memory_space<hbm>>) dst(%arg11 : memref<834xf32, #tpu.memory_space<vmem>>)
    %iota3A = tpu.iota {dimensions = array<i32: 0>} : vector<16xi32>
    %get3A = arith.constant 0 : index
    %get3A_60 = tpu.vector_load %arg13[%get3A] {strides = array<i32>} : memref<16xf32, #tpu.memory_space<vmem>>, vector<16xf32>,
    %slice3A = vector.extract_strided_slice %get3A_60 {offsets = [0], sizes = [1], strides = [1]} : vector<16xf32> to vector<1xf32>
    %squeeze3A = vector.extract %slice3A[0] : f32 from vector<1xf32>
    %slice3A_61 = vector.extract_strided_slice %get3A_60 {offsets = [1], sizes = [1], strides = [1]} : vector<16xf32> to vector<1xf32>
    %squeeze3A_62 = vector.extract %slice3A_61[0] : f32 from vector<1xf32>
    %slice3A_63 = vector.extract_strided_slice %get3A_60 {offsets = [2], sizes = [1], strides = [1]} : vector<16xf32> to vector<1xf32>
    %squeeze3A_64 = vector.extract %slice3A_63[0] : f32 from vector<1xf32>
    %slice3A_65 = vector.extract_strided_slice %get3A_60 {offsets = [3], sizes = [1], strides = [1]} : vector<16xf32> to vector<1xf32>
    %squeeze3A_66 = vector.extract %slice3A_65[0] : f32 from vector<1xf32>
    %slice3A_67 = vector.extract_strided_slice %get3A_60 {offsets = [4], sizes = [1], strides = [1]} : vector<16xf32> to vector<1xf32>
    %squeeze3A_68 = vector.extract %slice3A_67[0] : f32 from vector<1xf32>
    %slice3A_69 = vector.extract_strided_slice %get3A_60 {offsets = [5], sizes = [1], strides = [1]} : vector<16xf32> to vector<1xf32>
    %squeeze3A_70 = vector.extract %slice3A_69[0] : f32 from vector<1xf32>
    %slice3A_71 = vector.extract_strided_slice %get3A_60 {offsets = [6], sizes = [1], strides = [1]} : vector<16xf32> to vector<1xf32>
    %squeeze3A_72 = vector.extract %slice3A_71[0] : f32 from vector<1xf32>
    %slice3A_73 = vector.extract_strided_slice %get3A_60 {offsets = [7], sizes = [1], strides = [1]} : vector<16xf32> to vector<1xf32>
    %squeeze3A_74 = vector.extract %slice3A_73[0] : f32 from vector<1xf32>
    %slice3A_75 = vector.extract_strided_slice %get3A_60 {offsets = [8], sizes = [1], strides = [1]} : vector<16xf32> to vector<1xf32>
    %squeeze3A_76 = vector.extract %slice3A_75[0] : f32 from vector<1xf32>
    %slice3A_77 = vector.extract_strided_slice %get3A_60 {offsets = [9], sizes = [1], strides = [1]} : vector<16xf32> to vector<1xf32>
    %squeeze3A_78 = vector.extract %slice3A_77[0] : f32 from vector<1xf32>
    %slice3A_79 = vector.extract_strided_slice %get3A_60 {offsets = [10], sizes = [1], strides = [1]} : vector<16xf32> to vector<1xf32>
    %squeeze3A_80 = vector.extract %slice3A_79[0] : f32 from vector<1xf32>
    %slice3A_81 = vector.extract_strided_slice %get3A_60 {offsets = [11], sizes = [1], strides = [1]} : vector<16xf32> to vector<1xf32>
    %squeeze3A_82 = vector.extract %slice3A_81[0] : f32 from vector<1xf32>
    %slice3A_83 = vector.extract_strided_slice %get3A_60 {offsets = [12], sizes = [1], strides = [1]} : vector<16xf32> to vector<1xf32>
    %squeeze3A_84 = vector.extract %slice3A_83[0] : f32 from vector<1xf32>
    %mul3A_85 = arith.constant 2.000000e+00 : f32
    %mul3A_86 = arith.mulf %squeeze3A_84, %mul3A_85 : f32
    %add3A_87 = arith.constant 4.400000e+02 : f32
    %add3A_88 = arith.addf %mul3A_86, %add3A_87 : f32
    %scan3A = arith.constant 0 : i32
    %scan3A_89 = arith.constant 0 : i32
    %scan3A_90 = arith.constant 9 : i32
    %scan3A_91 = arith.addi %scan3A_89, %scan3A_90 : i32
    %scan3A_92 = arith.constant 1 : i32
    %scan3A_93 = scf.for %scan3A_113 = %scan3A_89 to %scan3A_91 step %scan3A_92 iter_args(%scan3A_114 = %scan3A) -> (i32)  : i32 {
      %mul3A_115 = arith.constant 16 : i32
      %mul3A_116 = arith.muli %scan3A_113, %mul3A_115 : i32
      %add3A_117 = arith.addi %mul3A_6, %mul3A_116 : i32
      %add3A_118 = vector.broadcast %add3A_117 : i32 to vector<16xi32>
      %add3A_119 = arith.addi %add3A_118, %iota3A : vector<16xi32>
      %min3A_120 = arith.constant 2225 : i32
      %min3A_121 = vector.broadcast %min3A_120 : i32 to vector<16xi32>
      %min3A_122 = arith.minsi %add3A_119, %min3A_121 : vector<16xi32>
      %mul3A_123 = arith.constant 10 : i32
      %mul3A_124 = vector.broadcast %mul3A_123 : i32 to vector<16xi32>
      %mul3A_125 = arith.muli %min3A_122, %mul3A_124 : vector<16xi32>
      %sub3A = vector.broadcast %min3A_19 : i32 to vector<16xi32>
      %sub3A_126 = arith.subi %mul3A_125, %sub3A : vector<16xi32>
      %add3A_127 = arith.constant 9 : i32
      %add3A_128 = vector.broadcast %add3A_127 : i32 to vector<16xi32>
      %add3A_129 = arith.addi %sub3A_126, %add3A_128 : vector<16xi32>
      %gather3A = tpu.vector_load_idx %arg8[%add3A_129] : memref<1444xf32, #tpu.memory_space<vmem>>[vector<16xi32>], vector<16xf32>,
      %add3A_130 = arith.constant 3 : i32
      %add3A_131 = vector.broadcast %add3A_130 : i32 to vector<16xi32>
      %add3A_132 = arith.addi %sub3A_126, %add3A_131 : vector<16xi32>
      %gather3A_133 = tpu.vector_load_idx %arg8[%add3A_132] : memref<1444xf32, #tpu.memory_space<vmem>>[vector<16xi32>], vector<16xf32>,
      %add3A_134 = arith.constant 6 : i32
      %add3A_135 = vector.broadcast %add3A_134 : i32 to vector<16xi32>
      %add3A_136 = arith.addi %sub3A_126, %add3A_135 : vector<16xi32>
      %gather3A_137 = tpu.vector_load_idx %arg8[%add3A_136] : memref<1444xf32, #tpu.memory_space<vmem>>[vector<16xi32>], vector<16xf32>,
      %mul3A_138 = arith.mulf %gather3A_137, %gather3A : vector<16xf32>
      %add3A_139 = arith.addf %gather3A_133, %mul3A_138 : vector<16xf32>
      %gather3A_140 = tpu.vector_load_idx %arg8[%sub3A_126] : memref<1444xf32, #tpu.memory_space<vmem>>[vector<16xi32>], vector<16xf32>,
      %sub3A_141 = arith.subf %add3A_139, %gather3A_140 : vector<16xf32>
      %add3A_142 = arith.constant 4 : i32
      %add3A_143 = vector.broadcast %add3A_142 : i32 to vector<16xi32>
      %add3A_144 = arith.addi %sub3A_126, %add3A_143 : vector<16xi32>
      %gather3A_145 = tpu.vector_load_idx %arg8[%add3A_144] : memref<1444xf32, #tpu.memory_space<vmem>>[vector<16xi32>], vector<16xf32>,
      %add3A_146 = arith.constant 7 : i32
      %add3A_147 = vector.broadcast %add3A_146 : i32 to vector<16xi32>
      %add3A_148 = arith.addi %sub3A_126, %add3A_147 : vector<16xi32>
      %gather3A_149 = tpu.vector_load_idx %arg8[%add3A_148] : memref<1444xf32, #tpu.memory_space<vmem>>[vector<16xi32>], vector<16xf32>,
      %mul3A_150 = arith.mulf %gather3A_149, %gather3A : vector<16xf32>
      %add3A_151 = arith.addf %gather3A_145, %mul3A_150 : vector<16xf32>
      %add3A_152 = arith.constant 1 : i32
      %add3A_153 = vector.broadcast %add3A_152 : i32 to vector<16xi32>
      %add3A_154 = arith.addi %sub3A_126, %add3A_153 : vector<16xi32>
      %gather3A_155 = tpu.vector_load_idx %arg8[%add3A_154] : memref<1444xf32, #tpu.memory_space<vmem>>[vector<16xi32>], vector<16xf32>,
      %sub3A_156 = arith.subf %add3A_151, %gather3A_155 : vector<16xf32>
      %add3A_157 = arith.constant 5 : i32
      %add3A_158 = vector.broadcast %add3A_157 : i32 to vector<16xi32>
      %add3A_159 = arith.addi %sub3A_126, %add3A_158 : vector<16xi32>
      %gather3A_160 = tpu.vector_load_idx %arg8[%add3A_159] : memref<1444xf32, #tpu.memory_space<vmem>>[vector<16xi32>], vector<16xf32>,
      %add3A_161 = arith.constant 8 : i32
      %add3A_162 = vector.broadcast %add3A_161 : i32 to vector<16xi32>
      %add3A_163 = arith.addi %sub3A_126, %add3A_162 : vector<16xi32>
      %gather3A_164 = tpu.vector_load_idx %arg8[%add3A_163] : memref<1444xf32, #tpu.memory_space<vmem>>[vector<16xi32>], vector<16xf32>,
      %mul3A_165 = arith.mulf %gather3A_164, %gather3A : vector<16xf32>
      %add3A_166 = arith.addf %gather3A_160, %mul3A_165 : vector<16xf32>
      %add3A_167 = arith.constant 2 : i32
      %add3A_168 = vector.broadcast %add3A_167 : i32 to vector<16xi32>
      %add3A_169 = arith.addi %sub3A_126, %add3A_168 : vector<16xi32>
      %gather3A_170 = tpu.vector_load_idx %arg8[%add3A_169] : memref<1444xf32, #tpu.memory_space<vmem>>[vector<16xi32>], vector<16xf32>,
      %sub3A_171 = arith.subf %add3A_166, %gather3A_170 : vector<16xf32>
      %mul3A_172 = arith.mulf %sub3A_141, %sub3A_141 : vector<16xf32>
      %mul3A_173 = arith.mulf %sub3A_156, %sub3A_156 : vector<16xf32>
      %add3A_174 = arith.addf %mul3A_172, %mul3A_173 : vector<16xf32>
      %mul3A_175 = arith.mulf %sub3A_171, %sub3A_171 : vector<16xf32>
      %add3A_176 = arith.addf %add3A_174, %mul3A_175 : vector<16xf32>
      %bitcast_convert_type3A = tpu.bitcast %add3A_176 : vector<16xf32> -> vector<16xi32>
      %shift_right_logical3A = arith.constant 1 : i32
      %shift_right_logical3A_177 = vector.broadcast %shift_right_logical3A : i32 to vector<16xi32>
      %shift_right_logical3A_178 = arith.shrui %bitcast_convert_type3A, %shift_right_logical3A_177 : vector<16xi32>
      %sub3A_179 = arith.constant 1597463007 : i32
      %sub3A_180 = vector.broadcast %sub3A_179 : i32 to vector<16xi32>
      %sub3A_181 = arith.subi %sub3A_180, %shift_right_logical3A_178 : vector<16xi32>
      %bitcast_convert_type3A_182 = tpu.bitcast %sub3A_181 : vector<16xi32> -> vector<16xf32>
      %mul3A_183 = arith.constant 5.000000e-01 : f32
      %mul3A_184 = vector.broadcast %mul3A_183 : f32 to vector<16xf32>
      %mul3A_185 = arith.mulf %mul3A_184, %add3A_176 : vector<16xf32>
      %mul3A_186 = arith.mulf %mul3A_185, %bitcast_convert_type3A_182 : vector<16xf32>
      %mul3A_187 = arith.mulf %mul3A_186, %bitcast_convert_type3A_182 : vector<16xf32>
      %sub3A_188 = arith.constant 1.500000e+00 : f32
      %sub3A_189 = vector.broadcast %sub3A_188 : f32 to vector<16xf32>
      %sub3A_190 = arith.subf %sub3A_189, %mul3A_187 : vector<16xf32>
      %mul3A_191 = arith.mulf %bitcast_convert_type3A_182, %sub3A_190 : vector<16xf32>
      %mul3A_192 = arith.constant 5.000000e-01 : f32
      %mul3A_193 = vector.broadcast %mul3A_192 : f32 to vector<16xf32>
      %mul3A_194 = arith.mulf %mul3A_193, %add3A_176 : vector<16xf32>
      %mul3A_195 = arith.mulf %mul3A_194, %mul3A_191 : vector<16xf32>
      %mul3A_196 = arith.mulf %mul3A_195, %mul3A_191 : vector<16xf32>
      %sub3A_197 = arith.constant 1.500000e+00 : f32
      %sub3A_198 = vector.broadcast %sub3A_197 : f32 to vector<16xf32>
      %sub3A_199 = arith.subf %sub3A_198, %mul3A_196 : vector<16xf32>
      %mul3A_200 = arith.mulf %mul3A_191, %sub3A_199 : vector<16xf32>
      %mul3A_201 = arith.constant 5.000000e-01 : f32
      %mul3A_202 = vector.broadcast %mul3A_201 : f32 to vector<16xf32>
      %mul3A_203 = arith.mulf %mul3A_202, %add3A_176 : vector<16xf32>
      %mul3A_204 = arith.mulf %mul3A_203, %mul3A_200 : vector<16xf32>
      %mul3A_205 = arith.mulf %mul3A_204, %mul3A_200 : vector<16xf32>
      %sub3A_206 = arith.constant 1.500000e+00 : f32
      %sub3A_207 = vector.broadcast %sub3A_206 : f32 to vector<16xf32>
      %sub3A_208 = arith.subf %sub3A_207, %mul3A_205 : vector<16xf32>
      %mul3A_209 = arith.mulf %mul3A_200, %sub3A_208 : vector<16xf32>
      %gt3A = arith.constant 0.000000e+00 : f32
      %gt3A_210 = vector.broadcast %gt3A : f32 to vector<16xf32>
      %gt3A_211 = arith.cmpf ogt, %add3A_176, %gt3A_210 : vector<16xf32>
      %mul3A_212 = arith.mulf %add3A_176, %mul3A_209 : vector<16xf32>
      %jit3A = arith.constant 0.000000e+00 : f32
      %broadcast_in_dim3A = vector.broadcast %jit3A : f32 to vector<16xf32>
      %select_n3A = arith.select %gt3A_211, %mul3A_212, %broadcast_in_dim3A : vector<16xi1>, vector<16xf32>
      %sub3A_213 = vector.broadcast %min3A_15 : i32 to vector<16xi32>
      %sub3A_214 = arith.subi %min3A_122, %sub3A_213 : vector<16xi32>
      %gather3A_215 = tpu.vector_load_idx %arg9[%sub3A_214] : memref<146xf32, #tpu.memory_space<vmem>>[vector<16xi32>], vector<16xf32>,
      %sub3A_216 = arith.subf %gather3A_215, %select_n3A : vector<16xf32>
      %abs3A = math.absf %sub3A_216 : vector<16xf32>
      %mul3A_217 = arith.constant 1.000000e+02 : f32
      %mul3A_218 = vector.broadcast %mul3A_217 : f32 to vector<16xf32>
      %mul3A_219 = arith.mulf %abs3A, %mul3A_218 : vector<16xf32>
      %mul3A_220 = arith.constant 16 : i32
      %mul3A_221 = arith.muli %scan3A_113, %mul3A_220 : i32
      %swap3A = arith.index_cast %mul3A_221 : i32 to index
      %swap3A_222 = tpu.vector_load %arg16[%swap3A] {strides = array<i32>} : memref<144xf32, #tpu.memory_space<vmem>>, vector<16xf32>,
      tpu.vector_store %arg16[%swap3A], %mul3A_219 {strides = array<i32>} : memref<144xf32, #tpu.memory_space<vmem>>, vector<16xf32>,
      %abs3A_223 = math.absf %gather3A : vector<16xf32>
      %sub3A_224 = arith.constant 6.000000e-01 : f32
      %sub3A_225 = vector.broadcast %sub3A_224 : f32 to vector<16xf32>
      %sub3A_226 = arith.subf %abs3A_223, %sub3A_225 : vector<16xf32>
      %max3A = arith.constant 0.000000e+00 : f32
      %max3A_227 = vector.broadcast %max3A : f32 to vector<16xf32>
      %max3A_228 = arith.maximumf %sub3A_226, %max3A_227 : vector<16xf32>
      %mul3A_229 = arith.constant 16 : i32
      %mul3A_230 = arith.muli %scan3A_113, %mul3A_229 : i32
      %swap3A_231 = arith.index_cast %mul3A_230 : i32 to index
      %swap3A_232 = tpu.vector_load %arg17[%swap3A_231] {strides = array<i32>} : memref<144xf32, #tpu.memory_space<vmem>>, vector<16xf32>,
      tpu.vector_store %arg17[%swap3A_231], %max3A_228 {strides = array<i32>} : memref<144xf32, #tpu.memory_space<vmem>>, vector<16xf32>,
      %scan3A_233 = arith.constant 0 : i32
      scf.yield %scan3A_233 : i32
    }
    %scan3A_94 = arith.constant 9 : i32
    %dma_wait3A_95 = arith.constant 0 : i32
    %dma_wait3A_96 = tpu.memref_slice %arg2[%dma_wait3A_95] : memref<45896xf32, #tpu.memory_space<hbm>> -> memref<22260xf32, #tpu.memory_space<hbm>>
    %dma_wait3A_97 = arith.constant 0 : i32
    %dma_wait3A_98 = tpu.memref_slice %arg2[%dma_wait3A_97] : memref<45896xf32, #tpu.memory_space<hbm>> -> memref<22260xf32, #tpu.memory_space<hbm>>
    tpu.wait_dma2 semaphore(%arg18 : memref<!tpu.dma_semaphore, #tpu.memory_space<semaphore_mem>>) src(%dma_wait3A_98 : memref<22260xf32, #tpu.memory_space<hbm>>) dst(%arg7 : memref<22260xf32, #tpu.memory_space<vmem>>)
    %scan3A_99 = arith.constant 0 : i32
    %scan3A_100 = arith.constant 0 : i32
    %scan3A_101 = arith.constant 8 : i32
    %scan3A_102 = arith.addi %scan3A_100, %scan3A_101 : i32
    %scan3A_103 = arith.constant 1 : i32
    %scan3A_104 = scf.for %scan3A_113 = %scan3A_100 to %scan3A_102 step %scan3A_103 iter_args(%scan3A_114 = %scan3A_99) -> (i32)  : i32 {
      %mul3A_115 = arith.constant 16 : i32
      %mul3A_116 = arith.muli %scan3A_113, %mul3A_115 : i32
      %add3A_117 = arith.addi %mul3A_2, %mul3A_116 : i32
      %add3A_118 = vector.broadcast %add3A_117 : i32 to vector<16xi32>
      %add3A_119 = arith.addi %add3A_118, %iota3A : vector<16xi32>
      %min3A_120 = arith.constant 1799 : i32
      %min3A_121 = vector.broadcast %min3A_120 : i32 to vector<16xi32>
      %min3A_122 = arith.minsi %add3A_119, %min3A_121 : vector<16xi32>
      %sub3A = vector.broadcast %min3A_7 : i32 to vector<16xi32>
      %sub3A_123 = arith.subi %min3A_122, %sub3A : vector<16xi32>
      %gather3A = tpu.vector_load_idx %arg10[%sub3A_123] : memref<128xf32, #tpu.memory_space<vmem>>[vector<16xi32>], vector<16xf32>,
      %convert_element_type3A = arith.fptosi %gather3A : vector<16xf32> to vector<16xi32>
      %mul3A_124 = arith.constant 10 : i32
      %mul3A_125 = vector.broadcast %mul3A_124 : i32 to vector<16xi32>
      %mul3A_126 = arith.muli %convert_element_type3A, %mul3A_125 : vector<16xi32>
      %gather3A_127 = tpu.vector_load_idx %arg7[%mul3A_126] : memref<22260xf32, #tpu.memory_space<vmem>>[vector<16xi32>], vector<16xf32>,
      %add3A_128 = arith.constant 1 : i32
      %add3A_129 = vector.broadcast %add3A_128 : i32 to vector<16xi32>
      %add3A_130 = arith.addi %mul3A_126, %add3A_129 : vector<16xi32>
      %gather3A_131 = tpu.vector_load_idx %arg7[%add3A_130] : memref<22260xf32, #tpu.memory_space<vmem>>[vector<16xi32>], vector<16xf32>,
      %add3A_132 = arith.constant 2 : i32
      %add3A_133 = vector.broadcast %add3A_132 : i32 to vector<16xi32>
      %add3A_134 = arith.addi %mul3A_126, %add3A_133 : vector<16xi32>
      %gather3A_135 = tpu.vector_load_idx %arg7[%add3A_134] : memref<22260xf32, #tpu.memory_space<vmem>>[vector<16xi32>], vector<16xf32>,
      %mul3A_136 = vector.broadcast %squeeze3A : f32 to vector<16xf32>
      %mul3A_137 = arith.mulf %gather3A_127, %mul3A_136 : vector<16xf32>
      %mul3A_138 = vector.broadcast %squeeze3A_66 : f32 to vector<16xf32>
      %mul3A_139 = arith.mulf %gather3A_131, %mul3A_138 : vector<16xf32>
      %add3A_140 = arith.addf %mul3A_137, %mul3A_139 : vector<16xf32>
      %mul3A_141 = vector.broadcast %squeeze3A_72 : f32 to vector<16xf32>
      %mul3A_142 = arith.mulf %gather3A_135, %mul3A_141 : vector<16xf32>
      %add3A_143 = arith.addf %add3A_140, %mul3A_142 : vector<16xf32>
      %mul3A_144 = vector.broadcast %squeeze3A_62 : f32 to vector<16xf32>
      %mul3A_145 = arith.mulf %gather3A_127, %mul3A_144 : vector<16xf32>
      %mul3A_146 = vector.broadcast %squeeze3A_68 : f32 to vector<16xf32>
      %mul3A_147 = arith.mulf %gather3A_131, %mul3A_146 : vector<16xf32>
      %add3A_148 = arith.addf %mul3A_145, %mul3A_147 : vector<16xf32>
      %mul3A_149 = vector.broadcast %squeeze3A_74 : f32 to vector<16xf32>
      %mul3A_150 = arith.mulf %gather3A_135, %mul3A_149 : vector<16xf32>
      %add3A_151 = arith.addf %add3A_148, %mul3A_150 : vector<16xf32>
      %mul3A_152 = vector.broadcast %squeeze3A_64 : f32 to vector<16xf32>
      %mul3A_153 = arith.mulf %gather3A_127, %mul3A_152 : vector<16xf32>
      %mul3A_154 = vector.broadcast %squeeze3A_70 : f32 to vector<16xf32>
      %mul3A_155 = arith.mulf %gather3A_131, %mul3A_154 : vector<16xf32>
      %add3A_156 = arith.addf %mul3A_153, %mul3A_155 : vector<16xf32>
      %mul3A_157 = vector.broadcast %squeeze3A_76 : f32 to vector<16xf32>
      %mul3A_158 = arith.mulf %gather3A_135, %mul3A_157 : vector<16xf32>
      %add3A_159 = arith.addf %add3A_156, %mul3A_158 : vector<16xf32>
      %sub3A_160 = vector.broadcast %squeeze3A_78 : f32 to vector<16xf32>
      %sub3A_161 = arith.subf %add3A_143, %sub3A_160 : vector<16xf32>
      %sub3A_162 = vector.broadcast %squeeze3A_80 : f32 to vector<16xf32>
      %sub3A_163 = arith.subf %add3A_151, %sub3A_162 : vector<16xf32>
      %sub3A_164 = vector.broadcast %squeeze3A_82 : f32 to vector<16xf32>
      %sub3A_165 = arith.subf %add3A_159, %sub3A_164 : vector<16xf32>
      %mul3A_166 = arith.mulf %sub3A_161, %sub3A_161 : vector<16xf32>
      %mul3A_167 = arith.mulf %sub3A_163, %sub3A_163 : vector<16xf32>
      %add3A_168 = arith.addf %mul3A_166, %mul3A_167 : vector<16xf32>
      %mul3A_169 = arith.mulf %sub3A_165, %sub3A_165 : vector<16xf32>
      %add3A_170 = arith.addf %add3A_168, %mul3A_169 : vector<16xf32>
      %bitcast_convert_type3A = tpu.bitcast %add3A_170 : vector<16xf32> -> vector<16xi32>
      %shift_right_logical3A = arith.constant 1 : i32
      %shift_right_logical3A_171 = vector.broadcast %shift_right_logical3A : i32 to vector<16xi32>
      %shift_right_logical3A_172 = arith.shrui %bitcast_convert_type3A, %shift_right_logical3A_171 : vector<16xi32>
      %sub3A_173 = arith.constant 1597463007 : i32
      %sub3A_174 = vector.broadcast %sub3A_173 : i32 to vector<16xi32>
      %sub3A_175 = arith.subi %sub3A_174, %shift_right_logical3A_172 : vector<16xi32>
      %bitcast_convert_type3A_176 = tpu.bitcast %sub3A_175 : vector<16xi32> -> vector<16xf32>
      %mul3A_177 = arith.constant 5.000000e-01 : f32
      %mul3A_178 = vector.broadcast %mul3A_177 : f32 to vector<16xf32>
      %mul3A_179 = arith.mulf %mul3A_178, %add3A_170 : vector<16xf32>
      %mul3A_180 = arith.mulf %mul3A_179, %bitcast_convert_type3A_176 : vector<16xf32>
      %mul3A_181 = arith.mulf %mul3A_180, %bitcast_convert_type3A_176 : vector<16xf32>
      %sub3A_182 = arith.constant 1.500000e+00 : f32
      %sub3A_183 = vector.broadcast %sub3A_182 : f32 to vector<16xf32>
      %sub3A_184 = arith.subf %sub3A_183, %mul3A_181 : vector<16xf32>
      %mul3A_185 = arith.mulf %bitcast_convert_type3A_176, %sub3A_184 : vector<16xf32>
      %mul3A_186 = arith.constant 5.000000e-01 : f32
      %mul3A_187 = vector.broadcast %mul3A_186 : f32 to vector<16xf32>
      %mul3A_188 = arith.mulf %mul3A_187, %add3A_170 : vector<16xf32>
      %mul3A_189 = arith.mulf %mul3A_188, %mul3A_185 : vector<16xf32>
      %mul3A_190 = arith.mulf %mul3A_189, %mul3A_185 : vector<16xf32>
      %sub3A_191 = arith.constant 1.500000e+00 : f32
      %sub3A_192 = vector.broadcast %sub3A_191 : f32 to vector<16xf32>
      %sub3A_193 = arith.subf %sub3A_192, %mul3A_190 : vector<16xf32>
      %mul3A_194 = arith.mulf %mul3A_185, %sub3A_193 : vector<16xf32>
      %mul3A_195 = arith.constant 5.000000e-01 : f32
      %mul3A_196 = vector.broadcast %mul3A_195 : f32 to vector<16xf32>
      %mul3A_197 = arith.mulf %mul3A_196, %add3A_170 : vector<16xf32>
      %mul3A_198 = arith.mulf %mul3A_197, %mul3A_194 : vector<16xf32>
      %mul3A_199 = arith.mulf %mul3A_198, %mul3A_194 : vector<16xf32>
      %sub3A_200 = arith.constant 1.500000e+00 : f32
      %sub3A_201 = vector.broadcast %sub3A_200 : f32 to vector<16xf32>
      %sub3A_202 = arith.subf %sub3A_201, %mul3A_199 : vector<16xf32>
      %mul3A_203 = arith.mulf %mul3A_194, %sub3A_202 : vector<16xf32>
      %gt3A = arith.constant 0.000000e+00 : f32
      %gt3A_204 = vector.broadcast %gt3A : f32 to vector<16xf32>
      %gt3A_205 = arith.cmpf ogt, %add3A_170, %gt3A_204 : vector<16xf32>
      %mul3A_206 = arith.mulf %add3A_170, %mul3A_203 : vector<16xf32>
      %jit3A = arith.constant 0.000000e+00 : f32
      %broadcast_in_dim3A = vector.broadcast %jit3A : f32 to vector<16xf32>
      %select_n3A = arith.select %gt3A_205, %mul3A_206, %broadcast_in_dim3A : vector<16xi1>, vector<16xf32>
      %add3A_207 = vector.broadcast %add3A_88 : f32 to vector<16xf32>
      %add3A_208 = arith.addf %add3A_159, %add3A_207 : vector<16xf32>
      %sub3A_209 = arith.subf %select_n3A, %add3A_208 : vector<16xf32>
      %abs3A = math.absf %sub3A_209 : vector<16xf32>
      %sub3A_210 = arith.constant 1.000000e+00 : f32
      %sub3A_211 = vector.broadcast %sub3A_210 : f32 to vector<16xf32>
      %sub3A_212 = arith.subf %abs3A, %sub3A_211 : vector<16xf32>
      %max3A = arith.constant 0.000000e+00 : f32
      %max3A_213 = vector.broadcast %max3A : f32 to vector<16xf32>
      %max3A_214 = arith.maximumf %sub3A_212, %max3A_213 : vector<16xf32>
      %mul3A_215 = arith.constant 16 : i32
      %mul3A_216 = arith.muli %scan3A_113, %mul3A_215 : i32
      %swap3A = arith.index_cast %mul3A_216 : i32 to index
      %swap3A_217 = tpu.vector_load %arg14[%swap3A] {strides = array<i32>} : memref<128xf32, #tpu.memory_space<vmem>>, vector<16xf32>,
      tpu.vector_store %arg14[%swap3A], %max3A_214 {strides = array<i32>} : memref<128xf32, #tpu.memory_space<vmem>>, vector<16xf32>,
      %scan3A_218 = arith.constant 0 : i32
      scf.yield %scan3A_218 : i32
    }
    %scan3A_105 = arith.constant 8 : i32
    %scan3A_106 = arith.constant 0 : i32
    %scan3A_107 = arith.constant 0 : i32
    %scan3A_108 = arith.constant 26 : i32
    %scan3A_109 = arith.addi %scan3A_107, %scan3A_108 : i32
    %scan3A_110 = arith.constant 1 : i32
    %scan3A_111 = scf.for %scan3A_113 = %scan3A_107 to %scan3A_109 step %scan3A_110 iter_args(%scan3A_114 = %scan3A_106) -> (i32)  : i32 {
      %mul3A_115 = arith.constant 16 : i32
      %mul3A_116 = arith.muli %scan3A_113, %mul3A_115 : i32
      %add3A_117 = arith.addi %mul3A_4, %mul3A_116 : i32
      %add3A_118 = vector.broadcast %add3A_117 : i32 to vector<16xi32>
      %add3A_119 = arith.addi %add3A_118, %iota3A : vector<16xi32>
      %min3A_120 = arith.constant 6524 : i32
      %min3A_121 = vector.broadcast %min3A_120 : i32 to vector<16xi32>
      %min3A_122 = arith.minsi %add3A_119, %min3A_121 : vector<16xi32>
      %mul3A_123 = arith.constant 2 : i32
      %mul3A_124 = vector.broadcast %mul3A_123 : i32 to vector<16xi32>
      %mul3A_125 = arith.muli %min3A_122, %mul3A_124 : vector<16xi32>
      %sub3A = vector.broadcast %min3A_13 : i32 to vector<16xi32>
      %sub3A_126 = arith.subi %mul3A_125, %sub3A : vector<16xi32>
      %gather3A = tpu.vector_load_idx %arg11[%sub3A_126] : memref<834xf32, #tpu.memory_space<vmem>>[vector<16xi32>], vector<16xf32>,
      %convert_element_type3A = arith.fptosi %gather3A : vector<16xf32> to vector<16xi32>
      %mul3A_127 = arith.constant 10 : i32
      %mul3A_128 = vector.broadcast %mul3A_127 : i32 to vector<16xi32>
      %mul3A_129 = arith.muli %convert_element_type3A, %mul3A_128 : vector<16xi32>
      %mul3A_130 = arith.constant 2 : i32
      %mul3A_131 = vector.broadcast %mul3A_130 : i32 to vector<16xi32>
      %mul3A_132 = arith.muli %min3A_122, %mul3A_131 : vector<16xi32>
      %add3A_133 = arith.constant 1 : i32
      %add3A_134 = vector.broadcast %add3A_133 : i32 to vector<16xi32>
      %add3A_135 = arith.addi %mul3A_132, %add3A_134 : vector<16xi32>
      %sub3A_136 = vector.broadcast %min3A_13 : i32 to vector<16xi32>
      %sub3A_137 = arith.subi %add3A_135, %sub3A_136 : vector<16xi32>
      %gather3A_138 = tpu.vector_load_idx %arg11[%sub3A_137] : memref<834xf32, #tpu.memory_space<vmem>>[vector<16xi32>], vector<16xf32>,
      %convert_element_type3A_139 = arith.fptosi %gather3A_138 : vector<16xf32> to vector<16xi32>
      %mul3A_140 = arith.constant 10 : i32
      %mul3A_141 = vector.broadcast %mul3A_140 : i32 to vector<16xi32>
      %mul3A_142 = arith.muli %convert_element_type3A_139, %mul3A_141 : vector<16xi32>
      %gather3A_143 = tpu.vector_load_idx %arg7[%mul3A_129] : memref<22260xf32, #tpu.memory_space<vmem>>[vector<16xi32>], vector<16xf32>,
      %gather3A_144 = tpu.vector_load_idx %arg7[%mul3A_142] : memref<22260xf32, #tpu.memory_space<vmem>>[vector<16xi32>], vector<16xf32>,
      %sub3A_145 = arith.subf %gather3A_143, %gather3A_144 : vector<16xf32>
      %add3A_146 = arith.constant 1 : i32
      %add3A_147 = vector.broadcast %add3A_146 : i32 to vector<16xi32>
      %add3A_148 = arith.addi %mul3A_129, %add3A_147 : vector<16xi32>
      %gather3A_149 = tpu.vector_load_idx %arg7[%add3A_148] : memref<22260xf32, #tpu.memory_space<vmem>>[vector<16xi32>], vector<16xf32>,
      %add3A_150 = arith.constant 1 : i32
      %add3A_151 = vector.broadcast %add3A_150 : i32 to vector<16xi32>
      %add3A_152 = arith.addi %mul3A_142, %add3A_151 : vector<16xi32>
      %gather3A_153 = tpu.vector_load_idx %arg7[%add3A_152] : memref<22260xf32, #tpu.memory_space<vmem>>[vector<16xi32>], vector<16xf32>,
      %sub3A_154 = arith.subf %gather3A_149, %gather3A_153 : vector<16xf32>
      %add3A_155 = arith.constant 2 : i32
      %add3A_156 = vector.broadcast %add3A_155 : i32 to vector<16xi32>
      %add3A_157 = arith.addi %mul3A_129, %add3A_156 : vector<16xi32>
      %gather3A_158 = tpu.vector_load_idx %arg7[%add3A_157] : memref<22260xf32, #tpu.memory_space<vmem>>[vector<16xi32>], vector<16xf32>,
      %add3A_159 = arith.constant 2 : i32
      %add3A_160 = vector.broadcast %add3A_159 : i32 to vector<16xi32>
      %add3A_161 = arith.addi %mul3A_142, %add3A_160 : vector<16xi32>
      %gather3A_162 = tpu.vector_load_idx %arg7[%add3A_161] : memref<22260xf32, #tpu.memory_space<vmem>>[vector<16xi32>], vector<16xf32>,
      %sub3A_163 = arith.subf %gather3A_158, %gather3A_162 : vector<16xf32>
      %mul3A_164 = arith.mulf %sub3A_145, %sub3A_145 : vector<16xf32>
      %mul3A_165 = arith.mulf %sub3A_154, %sub3A_154 : vector<16xf32>
      %add3A_166 = arith.addf %mul3A_164, %mul3A_165 : vector<16xf32>
      %mul3A_167 = arith.mulf %sub3A_163, %sub3A_163 : vector<16xf32>
      %add3A_168 = arith.addf %add3A_166, %mul3A_167 : vector<16xf32>
      %bitcast_convert_type3A = tpu.bitcast %add3A_168 : vector<16xf32> -> vector<16xi32>
      %shift_right_logical3A = arith.constant 1 : i32
      %shift_right_logical3A_169 = vector.broadcast %shift_right_logical3A : i32 to vector<16xi32>
      %shift_right_logical3A_170 = arith.shrui %bitcast_convert_type3A, %shift_right_logical3A_169 : vector<16xi32>
      %sub3A_171 = arith.constant 1597463007 : i32
      %sub3A_172 = vector.broadcast %sub3A_171 : i32 to vector<16xi32>
      %sub3A_173 = arith.subi %sub3A_172, %shift_right_logical3A_170 : vector<16xi32>
      %bitcast_convert_type3A_174 = tpu.bitcast %sub3A_173 : vector<16xi32> -> vector<16xf32>
      %mul3A_175 = arith.constant 5.000000e-01 : f32
      %mul3A_176 = vector.broadcast %mul3A_175 : f32 to vector<16xf32>
      %mul3A_177 = arith.mulf %mul3A_176, %add3A_168 : vector<16xf32>
      %mul3A_178 = arith.mulf %mul3A_177, %bitcast_convert_type3A_174 : vector<16xf32>
      %mul3A_179 = arith.mulf %mul3A_178, %bitcast_convert_type3A_174 : vector<16xf32>
      %sub3A_180 = arith.constant 1.500000e+00 : f32
      %sub3A_181 = vector.broadcast %sub3A_180 : f32 to vector<16xf32>
      %sub3A_182 = arith.subf %sub3A_181, %mul3A_179 : vector<16xf32>
      %mul3A_183 = arith.mulf %bitcast_convert_type3A_174, %sub3A_182 : vector<16xf32>
      %mul3A_184 = arith.constant 5.000000e-01 : f32
      %mul3A_185 = vector.broadcast %mul3A_184 : f32 to vector<16xf32>
      %mul3A_186 = arith.mulf %mul3A_185, %add3A_168 : vector<16xf32>
      %mul3A_187 = arith.mulf %mul3A_186, %mul3A_183 : vector<16xf32>
      %mul3A_188 = arith.mulf %mul3A_187, %mul3A_183 : vector<16xf32>
      %sub3A_189 = arith.constant 1.500000e+00 : f32
      %sub3A_190 = vector.broadcast %sub3A_189 : f32 to vector<16xf32>
      %sub3A_191 = arith.subf %sub3A_190, %mul3A_188 : vector<16xf32>
      %mul3A_192 = arith.mulf %mul3A_183, %sub3A_191 : vector<16xf32>
      %mul3A_193 = arith.constant 5.000000e-01 : f32
      %mul3A_194 = vector.broadcast %mul3A_193 : f32 to vector<16xf32>
      %mul3A_195 = arith.mulf %mul3A_194, %add3A_168 : vector<16xf32>
      %mul3A_196 = arith.mulf %mul3A_195, %mul3A_192 : vector<16xf32>
      %mul3A_197 = arith.mulf %mul3A_196, %mul3A_192 : vector<16xf32>
      %sub3A_198 = arith.constant 1.500000e+00 : f32
      %sub3A_199 = vector.broadcast %sub3A_198 : f32 to vector<16xf32>
      %sub3A_200 = arith.subf %sub3A_199, %mul3A_197 : vector<16xf32>
      %mul3A_201 = arith.mulf %mul3A_192, %sub3A_200 : vector<16xf32>
      %gt3A = arith.constant 0.000000e+00 : f32
      %gt3A_202 = vector.broadcast %gt3A : f32 to vector<16xf32>
      %gt3A_203 = arith.cmpf ogt, %add3A_168, %gt3A_202 : vector<16xf32>
      %mul3A_204 = arith.mulf %add3A_168, %mul3A_201 : vector<16xf32>
      %jit3A = arith.constant 0.000000e+00 : f32
      %broadcast_in_dim3A = vector.broadcast %jit3A : f32 to vector<16xf32>
      %select_n3A = arith.select %gt3A_203, %mul3A_204, %broadcast_in_dim3A : vector<16xi1>, vector<16xf32>
      %sub3A_205 = vector.broadcast %min3A_9 : i32 to vector<16xi32>
      %sub3A_206 = arith.subi %min3A_122, %sub3A_205 : vector<16xi32>
      %gather3A_207 = tpu.vector_load_idx %arg12[%sub3A_206] : memref<421xf32, #tpu.memory_space<vmem>>[vector<16xi32>], vector<16xf32>,
      %sub3A_208 = arith.subf %select_n3A, %gather3A_207 : vector<16xf32>
      %abs3A = math.absf %sub3A_208 : vector<16xf32>
      %mul3A_209 = arith.constant 7.000000e-03 : f32
      %mul3A_210 = vector.broadcast %mul3A_209 : f32 to vector<16xf32>
      %mul3A_211 = arith.mulf %mul3A_210, %gather3A_207 : vector<16xf32>
      %sub3A_212 = arith.subf %abs3A, %mul3A_211 : vector<16xf32>
      %max3A = arith.constant 0.000000e+00 : f32
      %max3A_213 = vector.broadcast %max3A : f32 to vector<16xf32>
      %max3A_214 = arith.maximumf %sub3A_212, %max3A_213 : vector<16xf32>
      %mul3A_215 = arith.constant 1.000000e+02 : f32
      %mul3A_216 = vector.broadcast %mul3A_215 : f32 to vector<16xf32>
      %mul3A_217 = arith.mulf %max3A_214, %mul3A_216 : vector<16xf32>
      %mul3A_218 = arith.constant 16 : i32
      %mul3A_219 = arith.muli %scan3A_113, %mul3A_218 : i32
      %swap3A = arith.index_cast %mul3A_219 : i32 to index
      %swap3A_220 = tpu.vector_load %arg15[%swap3A] {strides = array<i32>} : memref<416xf32, #tpu.memory_space<vmem>>, vector<16xf32>,
      tpu.vector_store %arg15[%swap3A], %mul3A_217 {strides = array<i32>} : memref<416xf32, #tpu.memory_space<vmem>>, vector<16xf32>,
      %scan3A_221 = arith.constant 0 : i32
      scf.yield %scan3A_221 : i32
    }
    %scan3A_112 = arith.constant 26 : i32
    "tpu.region"() ({
      %run_scoped3A = tpu.sem_alloc : memref<!tpu.dma_semaphore, #tpu.memory_space<semaphore_mem>>
      %dma_start3A_113 = tpu.memref_slice %arg3[%mul3A_2] : memref<2048xf32, #tpu.memory_space<hbm>> -> memref<128xf32, #tpu.memory_space<hbm>>
      %dma_start3A_114 = tpu.memref_slice %arg3[%mul3A_2] : memref<2048xf32, #tpu.memory_space<hbm>> -> memref<128xf32, #tpu.memory_space<hbm>>
      tpu.enqueue_dma source(%arg14 : memref<128xf32, #tpu.memory_space<vmem>>) target(%dma_start3A_114 : memref<128xf32, #tpu.memory_space<hbm>>) target_semaphore(%run_scoped3A : memref<!tpu.dma_semaphore, #tpu.memory_space<semaphore_mem>>)
      %dma_wait3A_115 = tpu.memref_slice %arg3[%mul3A_2] : memref<2048xf32, #tpu.memory_space<hbm>> -> memref<128xf32, #tpu.memory_space<hbm>>
      %dma_wait3A_116 = tpu.memref_slice %arg3[%mul3A_2] : memref<2048xf32, #tpu.memory_space<hbm>> -> memref<128xf32, #tpu.memory_space<hbm>>
      tpu.wait_dma2 semaphore(%run_scoped3A : memref<!tpu.dma_semaphore, #tpu.memory_space<semaphore_mem>>) src(%arg14 : memref<128xf32, #tpu.memory_space<vmem>>) dst(%dma_wait3A_116 : memref<128xf32, #tpu.memory_space<hbm>>)
      tpu.yield
    }) : () -> ()
    "tpu.region"() ({
      %run_scoped3A = tpu.sem_alloc : memref<!tpu.dma_semaphore, #tpu.memory_space<semaphore_mem>>
      %dma_start3A_113 = tpu.memref_slice %arg4[%mul3A_4] : memref<6656xf32, #tpu.memory_space<hbm>> -> memref<416xf32, #tpu.memory_space<hbm>>
      %dma_start3A_114 = tpu.memref_slice %arg4[%mul3A_4] : memref<6656xf32, #tpu.memory_space<hbm>> -> memref<416xf32, #tpu.memory_space<hbm>>
      tpu.enqueue_dma source(%arg15 : memref<416xf32, #tpu.memory_space<vmem>>) target(%dma_start3A_114 : memref<416xf32, #tpu.memory_space<hbm>>) target_semaphore(%run_scoped3A : memref<!tpu.dma_semaphore, #tpu.memory_space<semaphore_mem>>)
      %dma_wait3A_115 = tpu.memref_slice %arg4[%mul3A_4] : memref<6656xf32, #tpu.memory_space<hbm>> -> memref<416xf32, #tpu.memory_space<hbm>>
      %dma_wait3A_116 = tpu.memref_slice %arg4[%mul3A_4] : memref<6656xf32, #tpu.memory_space<hbm>> -> memref<416xf32, #tpu.memory_space<hbm>>
      tpu.wait_dma2 semaphore(%run_scoped3A : memref<!tpu.dma_semaphore, #tpu.memory_space<semaphore_mem>>) src(%arg15 : memref<416xf32, #tpu.memory_space<vmem>>) dst(%dma_wait3A_116 : memref<416xf32, #tpu.memory_space<hbm>>)
      tpu.yield
    }) : () -> ()
    "tpu.region"() ({
      %run_scoped3A = tpu.sem_alloc : memref<!tpu.dma_semaphore, #tpu.memory_space<semaphore_mem>>
      %dma_start3A_113 = tpu.memref_slice %arg5[%mul3A_6] : memref<2304xf32, #tpu.memory_space<hbm>> -> memref<144xf32, #tpu.memory_space<hbm>>
      %dma_start3A_114 = tpu.memref_slice %arg5[%mul3A_6] : memref<2304xf32, #tpu.memory_space<hbm>> -> memref<144xf32, #tpu.memory_space<hbm>>
      tpu.enqueue_dma source(%arg16 : memref<144xf32, #tpu.memory_space<vmem>>) target(%dma_start3A_114 : memref<144xf32, #tpu.memory_space<hbm>>) target_semaphore(%run_scoped3A : memref<!tpu.dma_semaphore, #tpu.memory_space<semaphore_mem>>)
      %dma_wait3A_115 = tpu.memref_slice %arg5[%mul3A_6] : memref<2304xf32, #tpu.memory_space<hbm>> -> memref<144xf32, #tpu.memory_space<hbm>>
      %dma_wait3A_116 = tpu.memref_slice %arg5[%mul3A_6] : memref<2304xf32, #tpu.memory_space<hbm>> -> memref<144xf32, #tpu.memory_space<hbm>>
      tpu.wait_dma2 semaphore(%run_scoped3A : memref<!tpu.dma_semaphore, #tpu.memory_space<semaphore_mem>>) src(%arg16 : memref<144xf32, #tpu.memory_space<vmem>>) dst(%dma_wait3A_116 : memref<144xf32, #tpu.memory_space<hbm>>)
      tpu.yield
    }) : () -> ()
    "tpu.region"() ({
      %run_scoped3A = tpu.sem_alloc : memref<!tpu.dma_semaphore, #tpu.memory_space<semaphore_mem>>
      %dma_start3A_113 = tpu.memref_slice %arg6[%mul3A_6] : memref<2304xf32, #tpu.memory_space<hbm>> -> memref<144xf32, #tpu.memory_space<hbm>>
      %dma_start3A_114 = tpu.memref_slice %arg6[%mul3A_6] : memref<2304xf32, #tpu.memory_space<hbm>> -> memref<144xf32, #tpu.memory_space<hbm>>
      tpu.enqueue_dma source(%arg17 : memref<144xf32, #tpu.memory_space<vmem>>) target(%dma_start3A_114 : memref<144xf32, #tpu.memory_space<hbm>>) target_semaphore(%run_scoped3A : memref<!tpu.dma_semaphore, #tpu.memory_space<semaphore_mem>>)
      %dma_wait3A_115 = tpu.memref_slice %arg6[%mul3A_6] : memref<2304xf32, #tpu.memory_space<hbm>> -> memref<144xf32, #tpu.memory_space<hbm>>
      %dma_wait3A_116 = tpu.memref_slice %arg6[%mul3A_6] : memref<2304xf32, #tpu.memory_space<hbm>> -> memref<144xf32, #tpu.memory_space<hbm>>
      tpu.wait_dma2 semaphore(%run_scoped3A : memref<!tpu.dma_semaphore, #tpu.memory_space<semaphore_mem>>) src(%arg17 : memref<144xf32, #tpu.memory_space<vmem>>) dst(%dma_wait3A_116 : memref<144xf32, #tpu.memory_space<hbm>>)
      tpu.yield
    }) : () -> ()
    return
  }
}

</mosaic_0001>

<sc_bundles>
// kernel: kernel.3.cloned.1.call-start
scs
__scs_entry_jumppad:
0x0: {  	(pc) =	sbr.rel $0x88, $3  }
0x1: {  	(tag) =	ssettag $0x0;
	lr =	simm.s32 $0x1  }
0x2: {  	[smem:$0x3F96] =	sst lr;
	_ =	strace $0xD0000000  }
0x3: {  	_ = 	snop  }
0x4: {  	_ = 	snop  }
0x5: {  	_ = 	snop  }
0x6: {  	_ = 	snop  }
0x7: {  	_ = 	snop  }
__scs_overlays_trampoline_lowered:
0x8: {  	[smem:$0x3FA5] =	sst s0  }
0x9: {  	[smem:$0x3FA6] =	sst s1  }
0xa: {  	[smem:$0x3FA7] =	sst s2  }
0xb: {  	[smem:$0x3FA8] =	sst s3  }
0xc: {  	[smem:$0x3FA9] =	sst s4  }
0xd: {  	[smem:$0x3FAA] =	sst s5  }
0xe: {  	[smem:$0x3FAB] =	sst s6  }
0xf: {  	[smem:$0x3FAC] =	sst s7  }
0x10: {  	[smem:$0x3FAD] =	sst s8  }
0x11: {  	[smem:$0x3FAE] =	sst s9;
	s0 =	simm.s32 @!p0 $0x0  }
0x12: {  	s1 =	sld [smem:$0x3F94];
	s0 =	simm.s32 @p0 $0x1  }
0x13: {  	[smem:$0x3FAF] =	sst s0;
	s0 =	simm.s32 @!p1 $0x0  }
0x14: {  	s2 =	sld [smem:$0x3F93];
	s0 =	simm.s32 @p1 $0x1  }
0x15: {  	[smem:$0x3FB0] =	sst s0;
	s0 =	simm.s32 @!p2 $0x0  }
0x16: {  	s3 =	sld [smem:$0x3FDB];
	s0 =	simm.s32 @p2 $0x1  }
0x17: {  	s4 =	simm.s32 $0x1BF5;
	[smem:$0x3FB2] =	sst s0  }
0x18: {  	s0 =	sld [smem:$0x3F95];
	_ =	swait.ge [sflag:s4], $0x0  }
0x19: {  	s7 =	sld [smem:$0x3F96]  }
0x1a: {  	s8 =	sadd.s32 $0xFFFFE003, lr  }
0x1b: {  	s9 =	sadd.s32 $0xFFFFFEF7, lr;
	s5 =	simm.s32 $0xFFFFFFFF;
	p2 =	slt.u32 s8, $0xFFFFF086  }
0x1c: {  	p1 =	slt.u32 s9, $0xF7A;
	s5 =	simm.s32 @!p2 $0x0  }
0x1d: {  	s5 =	simm.s32 @p1 $0x1;
	p0 =	seq.s32 s7, s2  }
0x1e: {  	s7 =	smul.u32 @!p0 $0xF7A, s2;
	p2 =	seq.s32 @!p0 s5, $0x0  }
0x1f: {  	s9 =	smul.u32 $0xF7A, s1;
	s8 =	simm.s32 @!p0 $0x1BF5;
	p2 =	por !p2, p0  }
0x20: {  	[sflag:s8] =	ssyncset.s32 @!p0 $0xFFFFF086;
	s6 =	sadd.s32 @!p0 s3, s7;
	s7 =	simm.s32 @!p0 $0x108  }
0x21: {  	s3 =	sadd.s32 s3, s9;
	s6 =	sadd.s32 @!p0 $0x88, s6;
	s7 =	simm.s32 @p2 $0x1082  }
0x22: {  	[simem:s7], [sflag:s8] =	dma.local @!p0 [hbm:s6], $0xF7A  }
0x23: {  	s9 =	sor.u32 $0xD0000000, s2;
	s6 =	simm.s32 $0x108;
	_ =	swait.ge @!p0 [sflag:s8], $0x0  }
0x24: {  	s3 =	sadd.s32 $0x88, s3;
	s6 =	simm.s32 @!p1 $0x1082;
	[sflag:s4] =	ssyncset.s32 $0xFFFFF086  }
0x25: {  	[simem:s6], [sflag:s4] =	dma.local [hbm:s3], $0xF7A  }
0x26: {  	[smem:$0x3F96] =	sst s1;
	(tag) =	ssettag s2;
	_ =	strace s9  }
0x27: {  	s1 =	sld [smem:$0x3FA6]  }
0x28: {  	s2 =	sld [smem:$0x3FA7]  }
0x29: {  	s4 =	sld [smem:$0x3FA9]  }
0x2a: {  	p0 =	seq.s32 s5, $0x0;
	s5 =	sld [smem:$0x3FAA]  }
0x2b: {  	s6 =	sld [smem:$0x3FAB]  }
0x2c: {  	s7 =	sld [smem:$0x3FAC]  }
0x2d: {  	s3 =	simm.s32 $0x108;
	s8 =	sld [smem:$0x3FAD]  }
0x2e: {  	s3 =	simm.s32 @!p0 $0x1082;
	s9 =	sld [smem:$0x3FAE]  }
0x2f: {  	lr =	sadd.s32 s0, s3;
	s0 =	sld [smem:$0x3FA5]  }
0x30: {  	s3 =	sld [smem:$0x3FA8]  }
0x31: {  	[smem:$0x3FB1] =	sst s10  }
0x32: {  	s10 =	sld [smem:$0x3FAF];
	_ =	sdelay $0x3  }
0x33: {  	p0 =	seq.s32 s10, $0x1;
	s10 =	sld [smem:$0x3FB1];
	_ =	sdelay $0x3  }
0x34: {  	[smem:$0x3FB1] =	sst s10  }
0x35: {  	s10 =	sld [smem:$0x3FB0];
	_ =	sdelay $0x3  }
0x36: {  	p1 =	seq.s32 s10, $0x1;
	s10 =	sld [smem:$0x3FB1];
	_ =	sdelay $0x3  }
0x37: {  	[smem:$0x3FB1] =	sst s10  }
0x38: {  	s10 =	sld [smem:$0x3FB2]  }
0x39: {  	_ = 	snop;
	(pc) =	sbr.ind lr, $3  }
0x3a: {  	_ = 	snop  }
0x3b: {  	_ = 	snop  }
0x3c: {  	p2 =	seq.s32 s10, $0x1;
	s10 =	sld [smem:$0x3FB1]  }
0x3d: {  	_ =	shalt  }
0x3e: {  	_ =	shalt  }
0x3f: {  	_ =	shalt  }
0x40: {  	_ =	shalt  }
0x41: {  	_ =	shalt  }
0x42: {  	_ =	shalt  }
0x43: {  	_ =	shalt  }
0x44: {  	_ =	shalt  }
0x45: {  	_ =	shalt  }
0x46: {  	_ =	shalt  }
0x47: {  	_ =	shalt  }
0x48: {  	_ =	shalt  }
0x49: {  	_ =	shalt  }
0x4a: {  	_ =	shalt  }
0x4b: {  	_ =	shalt  }
0x4c: {  	_ =	shalt  }
0x4d: {  	_ =	shalt  }
0x4e: {  	_ =	shalt  }
0x4f: {  	_ =	shalt  }
0x50: {  	_ =	shalt  }
0x51: {  	_ =	shalt  }
0x52: {  	_ =	shalt  }
0x53: {  	_ =	shalt  }
0x54: {  	_ =	shalt  }
0x55: {  	_ =	shalt  }
0x56: {  	_ =	shalt  }
0x57: {  	_ =	shalt  }
0x58: {  	_ =	shalt  }
0x59: {  	_ =	shalt  }
0x5a: {  	_ =	shalt  }
0x5b: {  	_ =	shalt  }
0x5c: {  	_ =	shalt  }
0x5d: {  	_ =	shalt  }
0x5e: {  	_ =	shalt  }
0x5f: {  	_ =	shalt  }
0x60: {  	_ =	shalt  }
0x61: {  	_ =	shalt  }
0x62: {  	_ =	shalt  }
0x63: {  	_ =	shalt  }
0x64: {  	_ =	shalt  }
0x65: {  	_ =	shalt  }
0x66: {  	_ =	shalt  }
0x67: {  	_ =	shalt  }
0x68: {  	_ =	shalt  }
0x69: {  	_ =	shalt  }
0x6a: {  	_ =	shalt  }
0x6b: {  	_ =	shalt  }
0x6c: {  	_ =	shalt  }
0x6d: {  	_ =	shalt  }
0x6e: {  	_ =	shalt  }
0x6f: {  	_ =	shalt  }
0x70: {  	_ =	shalt  }
0x71: {  	_ =	shalt  }
0x72: {  	_ =	shalt  }
0x73: {  	_ =	shalt  }
0x74: {  	_ =	shalt  }
0x75: {  	_ =	shalt  }
0x76: {  	_ =	shalt  }
0x77: {  	_ =	shalt  }
0x78: {  	_ =	shalt  }
0x79: {  	_ =	shalt  }
0x7a: {  	_ =	shalt  }
0x7b: {  	_ =	shalt  }
0x7c: {  	_ =	shalt  }
0x7d: {  	_ =	shalt  }
0x7e: {  	_ =	shalt  }
0x7f: {  	_ =	shalt  }
0x80: {  	_ =	shalt  }
0x81: {  	_ =	shalt  }
0x82: {  	_ =	shalt  }
0x83: {  	_ =	shalt  }
0x84: {  	_ =	shalt  }
0x85: {  	_ =	shalt  }
0x86: {  	_ =	shalt  }
0x87: {  	_ =	shalt  }
.Lfunc_end0:
.L_simem_size_0:
called_computation_lowered:
.L_overlay_start_0:
0x88: {  	s0 =	sld [smem:$0x3FD9]  }
0x89: {  	s1 =	sld [smem:$0x3FFE];
	_ =	sdelay $0x3  }
0x8a: {  	s0 =	sadd.s32 s1, s0  }
0x8b: {  	[smem:$0x3FBD] =	sst s0  }
0x8c: {  	_ = 	snop  }
0x8d: {  	(tm) =	ssettm $0x1  }
0x8e: {  	s15 =	sld [smem:$0x3FFB];
	_ =	sdelay $0x3  }
0x8f: {  	_ =	strace s15  }
0x90: {  	s0 =	sld [smem:$0x3FFC];
	_ =	sdelay $0x3  }
0x91: {  	_ =	strace s0  }
0x92: {  	s0 =	sld [smem:$0x3FFD];
	_ =	sdelay $0x3  }
0x93: {  	_ =	strace s0  }
0x94: {  	_ =	strace $0x8FFFFFFF  }
0x95: {  	s16 =	sld [smem:$0x3FDB];
	_ =	sdelay $0x1  }
0x96: {  	s17 =	simm.s32 $_scs_section_size  }
0x97: {  	s2 =	simm.s32 $_size__tile_overlayer_lowered;
	s3 =	simm.s32 $_tile_overlayer_lowered  }
0x98: {  	s20 =	simm.s32 $0x1BFF;
	s19 =	sshll.u32 s3, $0x1;
	s0 =	sadd.s32 s17, s16  }
0x99: {  	s4 =	simm.s32 $0x0;
	s18 =	sshll.u32 s2, $0x1;
	s2 =	sadd.s32 s19, s0  }
0x9a: {  	[timem:s4], [sflag:s20] =	dma.local [hbm:s2], s18  }
0x9b: {  	_ =	swait.ge [sflag:s20], s18  }
0x9c: {  	s1 =	ssub.s32 $0x0, s18;
	[sflag:s20] =	ssyncset.done $0x0  }
0x9d: {  	[sflag:s20] =	ssyncadd.s32 s1;
	_ =	sdelay $0x1  }
0x9e: {  	s21 =	simm.s32 $0x1B8B  }
0x9f: {  	_ =	swait.ge [sflag:s21], $0x1  }
0xa0: {  	[sflag:s21] =	ssyncset.done $0x0  }
0xa1: {  	s23 =	simm.s32 $0x1B8E;
	s22 =	sld [smem:$0x3FFE];
	[sflag:s21] =	ssyncadd.s32 $0xFFFFFFFF  }
0xa2: {  	s24 =	simm.s32 $execute0_lowered;
	[smem:$0x3FD2] =	sst s23  }
0xa3: {  	s2 =	sshll.u32 s24, $0x1;
	_ =	strace $0x80000046;
	[dreg:$0x1] =	wrdreg $0xFFFFFFFF  }
0xa4: {  	s25 =	simm.s32 $_size_execute0_lowered;
	s0 =	sadd.s32 s0, s2;
	[dreg:$0x0] =	wrdreg $0x0  }
0xa5: {  	s2 =	sshll.u32 s25, $0x1;
	[dreg:$0x2] =	wrdreg s0  }
0xa6: {  	[dreg:$0x3] =	wrdreg s2  }
0xa7: {  	[dreg:$0x4] =	wrdreg $0xC0  }
0xa8: {  	_ =	task [dreg:s4], $0x5FFFF  }
0xa9: {  	[dreg:$0x1] =	wrdreg $0xFFFFFFFF  }
0xaa: {  	[dreg:$0x0] =	wrdreg $0x60  }
0xab: {  	[dreg:$0x2] =	wrdreg s22  }
0xac: {  	[dreg:$0x3] =	wrdreg $0x9  }
0xad: {  	_ =	task.clear_ibuf [dreg:s4], $0x4FFFF;
	_ =	strace $0x90000046  }
0xae: {  	s26 =	simm.s32 $0x9;
	_ =	strace $0x80000048  }
0xaf: {  	_ =	swait.ge [sflag:s26], $0x1  }
0xb0: {  	[sflag:s26] =	ssyncadd.s32 $0xFFFFFFFF  }
0xb1: {  	_ =	strace $0x90000048  }
0xb2: {  	_ =	sfence  }
0xb3: {  	s28 =	sld [smem:$0x0];
	_ =	sdelay $0x1  }
0xb4: {  	s29 =	srdreg.scid  }
0xb5: {  	s30 =	sshll.u32 s29, $0xD;
	s31 =	sshrl.u32 s29, $0x2  }
0xb6: {  	s1 =	sand.u32 $0x1, s29;
	s2 =	sand.u32 $0x4000, s30;
	s0 =	sadd.s32 s31, s28  }
0xb7: {  	s1 =	sor.u32 s2, s1;
	s0 =	sshll.u32 s0, $0x11  }
0xb8: {  	s0 =	sor.u32 s0, s1  }
0xb9: {  	s0 =	sadd.s32 $0x8F2B, s0  }
0xba: {  	[sflag:s0] =	ssyncadd.remote.s32 $0x1  }
0xbb: {  	_ =	sfence.sel $0xFFFF  }
0xbc: {  	[dreg:$0x0] =	wrdreg $0xFFFFFFFF;
	(pc) =	sbr.abs _section_cstart, $3  }
0xbd: {  	[dreg:$0x1] =	wrdreg $0xFFFFFFFF  }
0xbe: {  	_ =	task.clear_ibuf [dreg:s4], $0x2FFFF;
	_ =	strace $0x9FFFFFFF  }
0xbf: {  	(tm) =	ssettm $0x7FFFFFFF  }
tec
execute0_lowered:
.L_overlay_start_1:
0x0: {  	(tag) =	ssettag $0x1  }
0x1: {  	s4 =	rddreg [dreg:$0x0]  }
0x2: {  	s1 =	stileid.u32;
	s0 =	rddreg [dreg:$0x1]  }
0x3: {  	s14 =	simm.s32 $0x0;
	s13 =	simm.s32 $0x5700;
	s3 =	smul.u32 $0x1A0, s1  }
0x4: {  	s18 =	simm.s32 $0x6200;
	[smem:$0x7FF] =	sst s14;
	s2 =	smul.u32 $0x90, s1  }
0x5: {  	s5 =	smul.u32 $0x5A0, s1;
	s6 =	sadd.s32 $0x1A00, s4;
	s10 =	sshll.u32 s1, $0x7  }
0x6: {  	s7 =	smul.u32 $0x340, s1;
	_ =	strace $0x80000047;
	s11 =	smin.u32 s10, $0x688  }
0x7: {  	s8 =	smin.u32 s3, $0x17D8;
	s15 =	smin.u32 s5, $0x5150;
	s20 =	smin.u32 s2, $0x820  }
0x8: {  	[tilespmem:s14], [sflag:$0x1] =	stream.linear.gather [hbm4b:s6+s14], $0x56F4, $0x38;
	[tilespmem:$0x6900] =	vst v63  }
0x9: {  	s9 =	smin.u32 s7, $0x2FB8;
	s21 =	sshrl.u32 s15, $0x3;
	s12 =	sadd.s32 $0x56F8, s20  }
0xa: {  	s17 =	sshrl.u32 s8, $0x3;
	s7 =	sadd.s32 s6, s21;
	s12 =	sshrl.u32 s12, $0x3  }
0xb: {  	[tilespmem:s13], [sflag:$0x2] =	stream.linear.gather [hbm4b:s7+s14], $0x5A4, $0x38;
	[tilespmem:$0x6900] =	vst v63  }
0xc: {  	s17 =	sadd.s32 s6, s17;
	s22 =	sadd.s32 s6, s12;
	s12 =	simm.s32 $0x5D00  }
0xd: {  	[tilespmem:s12], [sflag:$0x2] =	stream.linear.gather [hbm4b:s22+s14], $0x92, $0x38;
	[tilespmem:$0x6900] =	vst v63  }
0xe: {  	s26 =	simm.s32 $0x6400;
	s24 =	sshrl.u32 s11, $0x3;
	s23 =	sadd.s32 $0xBF6, s17  }
0xf: {  	[tilespmem:s18], [sflag:$0x2] =	stream.linear.gather [hbm4b:s23+s14], $0x1A5, $0x38;
	[tilespmem:$0x6900] =	vst v63  }
0x10: {  	s25 =	sadd.s32 $0x3067, s4;
	s16 =	sadd.s32 $0x8038, s9;
	s17 =	sadd.s32 s6, s24  }
0x11: {  	[tilespmem:s26], [sflag:$0x2] =	stream.linear.gather [hbm4b:s25+s14], $0x10, $0x38;
	[tilespmem:$0x6900] =	vst v63  }
0x12: {  	s29 =	simm.s32 $0x5E00;
	s16 =	sshrl.u32 s16, $0x3;
	s28 =	sadd.s32 $0xF26, s17  }
0x13: {  	[tilespmem:s29], [sflag:$0x2] =	stream.linear.gather [hbm4b:s28+s14], $0x80, $0x38;
	[tilespmem:$0x6900] =	vst v63  }
0x14: {  	s30 =	simm.s32 $0x5E80;
	s31 =	simm.s32 $0x2;
	s6 =	sadd.s32 s6, s16  }
0x15: {  	[tilespmem:s30], [sflag:$0x2] =	stream.linear.gather [hbm4b:s6+s14], $0x342, $0x38;
	[tilespmem:$0x6900] =	vst v63  }
0x16: {  	_ =	swait.ge [sflag:s31], $0x5A4  }
0x17: {  	[sflag:s31] =	ssyncset.done $0x0  }
0x18: {  	[sflag:s31] =	ssyncadd.s32 $0xFFFFFA5C  }
0x19: {  	_ =	swait.ge [sflag:s31], $0x92  }
0x1a: {  	[sflag:s31] =	ssyncset.done $0x0  }
0x1b: {  	[sflag:s31] =	ssyncadd.s32 $0xFFFFFF6E  }
0x1c: {  	v3 =	vlaneseq.u32;
	_ =	swait.ge [sflag:s31], $0x1A5  }
0x1d: {  	v0 =	vor.u32 s2, v3;
	[sflag:s31] =	ssyncset.done $0x0  }
0x1e: {  	vm0 =	vlt.s32 v0, $0x8B1;
	[sflag:s31] =	ssyncadd.s32 $0xFFFFFE5B  }
0x1f: {  	v5 =	vnsel vm0, $0x8B1, v0;
	_ =	swait.ge [sflag:s31], $0x10  }
0x20: {  	v0 =	vmul.u32 $0xA, v5;
	[sflag:s31] =	ssyncset.done $0x0  }
0x21: {  	v4 =	vmov s15;
	[sflag:s31] =	ssyncadd.s32 $0xFFFFFFF0  }
0x22: {  	v6 =	vsub.s32 v0, v4;
	_ =	swait.ge [sflag:s31], $0x80  }
0x23: {  	v0 =	vadd.s32 $0x8, v6;
	[sflag:s31] =	ssyncset.done $0x0  }
0x24: {  	v1 =	vadd.s32 $0x7, v6;
	[sflag:s31] =	ssyncadd.s32 $0xFFFFFF80  }
0x25: {  	v2 =	vadd.s32 $0x6, v6;
	_ =	swait.ge [sflag:s31], $0x342  }
0x26: {  	v7 =	vadd.s32 $0x9, v6;
	[sflag:s31] =	ssyncset.done $0x0  }
0x27: {  	v8 =	vadd.s32 $0x3, v6;
	[sflag:s31] =	ssyncadd.s32 $0xFFFFFCBE  }
0x28: {  	v9 =	vadd.s32 $0x4, v6;
	v10 =	vld.idx.msk [tilespmem:v0+s13+$0x0], $0xffff  }
0x29: {  	v0 =	vadd.s32 $0x5, v6;
	v11 =	vld.idx.msk [tilespmem:v1+s13+$0x0], $0xffff  }
0x2a: {  	v13 =	vor.u32 $0x1, v6;
	v12 =	vld.idx.msk [tilespmem:v2+s13+$0x0], $0xffff  }
0x2b: {  	v7 =	vld.idx.msk [tilespmem:v7+s13+$0x0], $0xffff  }
0x2c: {  	v16 =	vadd.s32 $0x2, v6;
	v14 =	vld.idx.msk [tilespmem:v8+s13+$0x0], $0xffff  }
0x2d: {  	s16 =	sadd.s32 $0x10, s2;
	v15 =	vld.idx.msk [tilespmem:v9+s13+$0x0], $0xffff  }
0x2e: {  	v2 =	vor.u32 s16, v3;
	v17 =	vld.idx.msk [tilespmem:v0+s13+$0x0], $0xffff  }
0x2f: {  	v1 =	vmov s20;
	v8 =	vld.idx.msk [tilespmem:v13+s13+$0x0], $0xffff;
	vm15 =	vlt.s32 v2, $0x8B1  }
0x30: {  	v9 =	vld.idx.msk [tilespmem:v6+s13+$0x0], $0xffff;
	v2 =	vnsel vm15, $0x8B1, v2;
	v12 =	vmul.f32 v12, v7;
	v18 =	vmul.f32 v11, v7  }
0x31: {  	v13 =	vmul.u32 $0xA, v2;
	v19 =	vmul.f32 v10, v7;
	v20 =	vand.u32 $0x7FFFFFFF, v7;
	v10 =	vld.idx.msk [tilespmem:v16+s13+$0x0], $0xffff  }
0x32: {  	s5 =	sadd.s32 $0x3800, s4;
	s15 =	simm.s32 $0x40;
	s7 =	sadd.s32 $0x3200, s4;
	v7 =	vsub.s32 v5, v1;
	v11 =	vadd.f32 v12, v14;
	v12 =	vadd.f32 v18, v15  }
0x33: {  	s17 =	simm.s32 $0x80;
	s6 =	sadd.s32 $0x3400, s4;
	s4 =	sadd.s32 $0x3A00, s4;
	v0 =	vld [tilespmem:$0x6400];
	v5 =	vsub.s32 v13, v4;
	v6 =	vadd.f32 $-6.000000240e-01, v20;
	v13 =	vadd.f32 v19, v17  }
.LBB2_1:
0x34: {  	p0 =	sne.s32 s17, $0x200;
	v14 =	vadd.s32 $0x9, v5;
	v15 =	vadd.s32 $0x6, v5;
	v8 =	vsub.f32 v12, v8;
	s19 =	smov.u32 s17;
	s17 =	sadd.s32 $0x40, s17  }
0x35: {  	v12 =	vadd.s32 $0x7, v5;
	v16 =	vadd.s32 $0x8, v5;
	v9 =	vsub.f32 v11, v9  }
0x36: {  	v11 =	vadd.s32 $0x3, v5;
	v10 =	vsub.f32 v13, v10;
	v8 =	vmul.f32 v8, v8  }
0x37: {  	v17 =	vadd.s32 $0x2, v5;
	v13 =	vadd.s32 $0x4, v5;
	v9 =	vmul.f32 v9, v9  }
0x38: {  	v18 =	vor.u32 $0x1, v5;
	v19 =	vadd.s32 $0x5, v5;
	s18 =	sshra.s32 s14, $0x2;
	s14 =	smov.u32 s15;
	v6 =	vmax.f32 v6, $0.0e+00;
	s15 =	smov.u32 s19;
	v7 =	vld.idx.msk [tilespmem:v7+s12+$0x0], $0xffff  }
0x39: {  	v8 =	vadd.f32 v8, v9;
	v9 =	vmul.f32 v10, v10;
	[tilespmem:s18+$0x6800] =	vst v6;
	_ =	sdelay $0x1  }
0x3a: {  	v6 =	vadd.f32 v9, v8;
	_ =	sdelay $0x1  }
0x3b: {  	v8 =	vshrl.u32 v6, $0x1;
	v9 =	vmul.f32 $5.000000000e-01, v6  }
0x3c: {  	v8 =	vsub.s32 $0x5F3759DF, v8  }
0x3d: {  	v10 =	vmul.f32 v8, v9;
	_ =	sdelay $0x1  }
0x3e: {  	v10 =	vmul.f32 v8, v10;
	_ =	sdelay $0x1  }
0x3f: {  	v10 =	vsub.f32 $1.500000000e+00, v10;
	_ =	sdelay $0x1  }
0x40: {  	v8 =	vmul.f32 v8, v10;
	_ =	sdelay $0x1  }
0x41: {  	v10 =	vmul.f32 v8, v9;
	_ =	sdelay $0x1  }
0x42: {  	v10 =	vmul.f32 v10, v8;
	_ =	sdelay $0x1  }
0x43: {  	v10 =	vsub.f32 $1.500000000e+00, v10;
	_ =	sdelay $0x1  }
0x44: {  	v8 =	vmul.f32 v10, v8;
	_ =	sdelay $0x1  }
0x45: {  	v9 =	vmul.f32 v8, v9;
	_ =	sdelay $0x1  }
0x46: {  	v9 =	vmul.f32 v9, v8;
	_ =	sdelay $0x1  }
0x47: {  	v9 =	vsub.f32 $1.500000000e+00, v9;
	_ =	sdelay $0x1  }
0x48: {  	v8 =	vmul.f32 v9, v8;
	_ =	sdelay $0x1  }
0x49: {  	v8 =	vmul.f32 v8, v6  }
0x4a: {  	vm0 =	vgt.f32 v6, $0.0e+00  }
0x4b: {  	v6 =	vnsel vm0, $0x0, v8  }
0x4c: {  	v6 =	vsub.f32 v7, v6;
	_ =	sdelay $0x1  }
0x4d: {  	v6 =	vand.u32 $0x7FFFFFFF, v6  }
0x4e: {  	v6 =	vmul.f32 $1.000000000e+02, v6;
	_ =	sdelay $0x1  }
0x4f: {  	[tilespmem:s18+$0x6700] =	vst v6  }
0x50: {  	v6 =	vld.idx.msk [tilespmem:v16+s13+$0x0], $0xffff  }
0x51: {  	v7 =	vld.idx.msk [tilespmem:v12+s13+$0x0], $0xffff  }
0x52: {  	v10 =	vld.idx.msk [tilespmem:v15+s13+$0x0], $0xffff  }
0x53: {  	v12 =	vld.idx.msk [tilespmem:v14+s13+$0x0], $0xffff  }
0x54: {  	v11 =	vld.idx.msk [tilespmem:v11+s13+$0x0], $0xffff  }
0x55: {  	v13 =	vld.idx.msk [tilespmem:v13+s13+$0x0], $0xffff  }
0x56: {  	s16 =	sadd.s32 $0x10, s16;
	v14 =	vld.idx.msk [tilespmem:v19+s13+$0x0], $0xffff  }
0x57: {  	v15 =	vor.u32 s16, v3;
	v8 =	vld.idx.msk [tilespmem:v18+s13+$0x0], $0xffff  }
.Ltmp0:
0x58: {  	vm0 =	vlt.s32 v15, $0x8B1;
	v9 =	vld.idx.msk [tilespmem:v5+s13+$0x0], $0xffff;
	(pc) =	sbr.rel @p0 .LBB2_1-.Ltmp0, $4  }
0x59: {  	v5 =	vnsel vm0, $0x8B1, v15;
	v15 =	vmul.f32 v10, v12;
	v7 =	vmul.f32 v7, v12;
	v10 =	vld.idx.msk [tilespmem:v17+s13+$0x0], $0xffff  }
0x5a: {  	v6 =	vmul.f32 v6, v12;
	v16 =	vmul.u32 $0xA, v5;
	v17 =	vand.u32 $0x7FFFFFFF, v12  }
0x5b: {  	v11 =	vadd.f32 v15, v11;
	v12 =	vadd.f32 v7, v13;
	v7 =	vsub.s32 v2, v1;
	v2 =	vmovc v5  }
0x5c: {  	v5 =	vsub.s32 v16, v4;
	v13 =	vadd.f32 v6, v14;
	v6 =	vadd.f32 $-6.000000240e-01, v17  }
0x5d: {  	v3 =	vsub.f32 v12, v8;
	v4 =	vsub.f32 v11, v9;
	_ =	sdelay $0x1  }
0x5e: {  	v8 =	vsub.f32 v13, v10;
	v3 =	vmul.f32 v3, v3;
	v4 =	vmul.f32 v4, v4;
	_ =	sdelay $0x1  }
0x5f: {  	v3 =	vadd.f32 v3, v4;
	v4 =	vmul.f32 v8, v8;
	_ =	sdelay $0x1  }
0x60: {  	v3 =	vadd.f32 v4, v3;
	_ =	sdelay $0x1  }
0x61: {  	v4 =	vshrl.u32 v3, $0x1;
	v8 =	vmul.f32 $5.000000000e-01, v3  }
0x62: {  	v4 =	vsub.s32 $0x5F3759DF, v4  }
0x63: {  	v9 =	vmul.f32 v4, v8;
	_ =	sdelay $0x1  }
0x64: {  	v9 =	vmul.f32 v4, v9;
	_ =	sdelay $0x1  }
0x65: {  	v9 =	vsub.f32 $1.500000000e+00, v9;
	_ =	sdelay $0x1  }
0x66: {  	v4 =	vmul.f32 v4, v9;
	_ =	sdelay $0x1  }
0x67: {  	v9 =	vmul.f32 v4, v8;
	_ =	sdelay $0x1  }
0x68: {  	v9 =	vmul.f32 v9, v4;
	_ =	sdelay $0x1  }
0x69: {  	v9 =	vsub.f32 $1.500000000e+00, v9;
	_ =	sdelay $0x1  }
0x6a: {  	v4 =	vmul.f32 v9, v4;
	_ =	sdelay $0x1  }
0x6b: {  	v8 =	vmul.f32 v4, v8;
	_ =	sdelay $0x1  }
0x6c: {  	v8 =	vmul.f32 v8, v4;
	_ =	sdelay $0x1  }
0x6d: {  	v8 =	vsub.f32 $1.500000000e+00, v8;
	_ =	sdelay $0x1  }
0x6e: {  	v7 =	vld.idx.msk [tilespmem:v7+s12+$0x0], $0xffff;
	v4 =	vmul.f32 v8, v4;
	_ =	sdelay $0x1  }
0x6f: {  	v4 =	vmul.f32 v4, v3  }
0x70: {  	vm0 =	vgt.f32 v3, $0.0e+00  }
0x71: {  	v3 =	vnsel vm0, $0x0, v4  }
0x72: {  	v3 =	vsub.f32 v7, v3  }
0x73: {  	v4 =	vadd.s32 $0x8, v5  }
0x74: {  	v7 =	vadd.s32 $0x7, v5;
	v3 =	vand.u32 $0x7FFFFFFF, v3  }
0x75: {  	s14 =	sshra.s32 s14, $0x2;
	v6 =	vmax.f32 v6, $0.0e+00;
	v8 =	vadd.s32 $0x6, v5;
	v3 =	vmul.f32 $1.000000000e+02, v3  }
0x76: {  	[tilespmem:s14+$0x6800] =	vst v6;
	v9 =	vadd.s32 $0x9, v5  }
0x77: {  	v6 =	vadd.s32 $0x3, v5;
	[tilespmem:s14+$0x6700] =	vst v3  }
0x78: {  	v10 =	vadd.s32 $0x5, v5;
	v4 =	vld.idx.msk [tilespmem:v4+s13+$0x0], $0xffff  }
0x79: {  	v3 =	vadd.s32 $0x4, v5;
	v7 =	vld.idx.msk [tilespmem:v7+s13+$0x0], $0xffff  }
0x7a: {  	v11 =	vor.u32 $0x1, v5;
	v8 =	vld.idx.msk [tilespmem:v8+s13+$0x0], $0xffff  }
0x7b: {  	v9 =	vld.idx.msk [tilespmem:v9+s13+$0x0], $0xffff  }
0x7c: {  	v6 =	vld.idx.msk [tilespmem:v6+s13+$0x0], $0xffff  }
0x7d: {  	v12 =	vadd.s32 $0x2, v5;
	v10 =	vld.idx.msk [tilespmem:v10+s13+$0x0], $0xffff  }
0x7e: {  	v3 =	vld.idx.msk [tilespmem:v3+s13+$0x0], $0xffff  }
0x7f: {  	v11 =	vld.idx.msk [tilespmem:v11+s13+$0x0], $0xffff  }
0x80: {  	v5 =	vld.idx.msk [tilespmem:v5+s13+$0x0], $0xffff  }
0x81: {  	v8 =	vmul.f32 v8, v9;
	v7 =	vmul.f32 v7, v9  }
0x82: {  	v12 =	vld.idx.msk [tilespmem:v12+s13+$0x0], $0xffff;
	v4 =	vmul.f32 v4, v9  }
0x83: {  	v6 =	vadd.f32 v8, v6;
	v3 =	vadd.f32 v7, v3  }
0x84: {  	v4 =	vadd.f32 v4, v10  }
0x85: {  	v5 =	vsub.f32 v6, v5;
	v3 =	vsub.f32 v3, v11;
	_ =	sdelay $0x1  }
0x86: {  	v4 =	vsub.f32 v4, v12;
	v5 =	vmul.f32 v5, v5;
	v3 =	vmul.f32 v3, v3;
	_ =	sdelay $0x1  }
0x87: {  	v4 =	vmul.f32 v4, v4;
	v3 =	vadd.f32 v3, v5;
	_ =	sdelay $0x1  }
0x88: {  	v3 =	vadd.f32 v4, v3;
	_ =	sdelay $0x1  }
0x89: {  	v4 =	vshrl.u32 v3, $0x1;
	v5 =	vmul.f32 $5.000000000e-01, v3  }
0x8a: {  	v4 =	vsub.s32 $0x5F3759DF, v4  }
0x8b: {  	v6 =	vmul.f32 v4, v5;
	_ =	sdelay $0x1  }
0x8c: {  	v6 =	vmul.f32 v4, v6;
	_ =	sdelay $0x1  }
0x8d: {  	v6 =	vsub.f32 $1.500000000e+00, v6;
	_ =	sdelay $0x1  }
0x8e: {  	v4 =	vmul.f32 v4, v6;
	_ =	sdelay $0x1  }
0x8f: {  	v6 =	vmul.f32 v4, v5;
	_ =	sdelay $0x1  }
0x90: {  	v6 =	vmul.f32 v6, v4;
	_ =	sdelay $0x1  }
0x91: {  	v6 =	vsub.f32 $1.500000000e+00, v6;
	_ =	sdelay $0x1  }
0x92: {  	v4 =	vmul.f32 v6, v4;
	_ =	sdelay $0x1  }
0x93: {  	v5 =	vmul.f32 v4, v5  }
0x94: {  	v1 =	vsub.s32 v2, v1;
	(v2sf) =	vpush v0, $0xC  }
0x95: {  	v2 =	vmul.f32 v5, v4;
	_ =	sdelay $0x1  }
0x96: {  	v2 =	vsub.f32 $1.500000000e+00, v2;
	_ =	sdelay $0x1  }
0x97: {  	v1 =	vld.idx.msk [tilespmem:v1+s12+$0x0], $0xffff;
	v2 =	vmul.f32 v2, v4;
	_ =	sdelay $0x1  }
0x98: {  	v2 =	vmul.f32 v2, v3  }
0x99: {  	vm0 =	vgt.f32 v3, $0.0e+00  }
0x9a: {  	v3 =	vand.u32 $0x7FFFFFFF, v9;
	v2 =	vnsel vm0, $0x0, v2  }
0x9b: {  	v3 =	vadd.f32 $-6.000000240e-01, v3;
	v2 =	vsub.f32 v1, v2;
	v1 =	vlaneseq.u32  }
0x9c: {  	v4 =	vor.u32 s10, v1  }
0x9d: {  	v3 =	vmax.f32 v3, $0.0e+00;
	v2 =	vand.u32 $0x7FFFFFFF, v2;
	vm0 =	vlt.s32 v4, $0x707  }
0x9e: {  	s29 =	sshra.s32 s15, $0x2;
	v5 =	vmul.f32 $1.000000000e+02, v2;
	v2 =	vmov s11;
	v4 =	vnsel vm0, $0x707, v4  }
0x9f: {  	[tilespmem:s29+$0x6800] =	vst v3;
	v3 =	vsub.s32 v4, v2  }
0xa0: {  	s31 =	simm.s32 $0x1;
	s30 =	spop (v2sf);
	[tilespmem:s29+$0x6700] =	vst v5  }
0xa1: {  	_ =	swait.ge [sflag:s31], $0x56F4  }
0xa2: {  	[sflag:s31] =	ssyncset.done $0x0  }
0xa3: {  	s12 =	simm.s32 $0x5E00;
	[sflag:s31] =	ssyncadd.s32 $0xFFFFA90C  }
0xa4: {  	v3 =	vld.idx.msk [tilespmem:v3+s12+$0x0], $0xffff;
	_ =	sdelay $0x4  }
0xa5: {  	v3 =	vtrunc.f32 v3  }
0xa6: {  	v3 =	vcvt.f32.s32 v3;
	_ =	sdelay $0x1  }
0xa7: {  	v3 =	vmul.u32 $0xA, v3;
	_ =	sdelay $0x2  }
0xa8: {  	v6 =	vor.u32 $0x1, v3  }
0xa9: {  	v7 =	vadd.s32 $0x2, v3  }
0xaa: {  	s11 =	simm.s32 $0x0  }
0xab: {  	v12 =	vld.idx.msk [tilespmem:v3+s11+$0x0], $0xffff  }
0xac: {  	v8 =	vbroadcast v0, $0x1;
	v10 =	vbroadcast v0, $0x5  }
0xad: {  	v11 =	vbroadcast v0, $0x2;
	v9 =	vbroadcast v0, $0x4;
	v13 =	vld.idx.msk [tilespmem:v6+s11+$0x0], $0xffff  }
0xae: {  	v4 =	vbroadcast v0, $0x3;
	v5 =	vbroadcast v0, $0x0;
	v14 =	vld.idx.msk [tilespmem:v7+s11+$0x0], $0xffff  }
0xaf: {  	v3 =	vbroadcast v0, $0x6;
	v6 =	vbroadcast v0, $0x7  }
0xb0: {  	v7 =	vbroadcast v0, $0x8;
	v15 =	vmul.f32 v12, v11  }
0xb1: {  	v16 =	vmul.f32 v12, v5;
	v12 =	vmul.f32 v12, v8  }
0xb2: {  	v17 =	vmul.f32 v13, v4;
	v18 =	vmul.f32 v13, v9  }
0xb3: {  	v19 =	vmul.f32 v14, v3;
	v13 =	vmul.f32 v13, v10  }
0xb4: {  	v16 =	vadd.f32 v17, v16;
	v17 =	vadd.f32 v18, v12;
	v18 =	vmul.f32 v14, v6  }
0xb5: {  	v12 =	vbroadcast v0, $0x9;
	v15 =	vadd.f32 v13, v15;
	v14 =	vmul.f32 v14, v7  }
0xb6: {  	v13 =	vbroadcast v0, $0xA;
	v16 =	vadd.f32 v19, v16;
	v17 =	vadd.f32 v18, v17  }
0xb7: {  	v15 =	vadd.f32 v14, v15  }
0xb8: {  	v0 =	vbroadcast v0, $0xB;
	v14 =	vsub.f32 v16, v12;
	v16 =	vsub.f32 v17, v13;
	_ =	sdelay $0x1  }
0xb9: {  	v17 =	vsub.f32 v15, v0;
	v14 =	vmul.f32 v14, v14;
	v16 =	vmul.f32 v16, v16;
	_ =	sdelay $0x1  }
0xba: {  	v14 =	vadd.f32 v16, v14;
	v16 =	vmul.f32 v17, v17;
	_ =	sdelay $0x1  }
0xbb: {  	v16 =	vadd.f32 v14, v16;
	_ =	sdelay $0x1  }
0xbc: {  	v14 =	vshrl.u32 v16, $0x1;
	v17 =	vmul.f32 $5.000000000e-01, v16  }
0xbd: {  	v14 =	vsub.s32 $0x5F3759DF, v14  }
0xbe: {  	v18 =	vmul.f32 v14, v17;
	_ =	sdelay $0x1  }
0xbf: {  	v18 =	vmul.f32 v14, v18;
	_ =	sdelay $0x1  }
0xc0: {  	v18 =	vsub.f32 $1.500000000e+00, v18;
	_ =	sdelay $0x1  }
0xc1: {  	v14 =	vmul.f32 v14, v18;
	_ =	sdelay $0x1  }
0xc2: {  	v18 =	vmul.f32 v14, v17;
	_ =	sdelay $0x1  }
0xc3: {  	v18 =	vmul.f32 v18, v14;
	_ =	sdelay $0x1  }
0xc4: {  	v18 =	vsub.f32 $1.500000000e+00, v18;
	_ =	sdelay $0x1  }
0xc5: {  	v14 =	vmul.f32 v18, v14;
	_ =	sdelay $0x1  }
0xc6: {  	v17 =	vmul.f32 v14, v17;
	_ =	sdelay $0x1  }
0xc7: {  	v17 =	vmul.f32 v17, v14;
	_ =	sdelay $0x1  }
0xc8: {  	s13 =	sadd.f32 s30, s30;
	v17 =	vsub.f32 $1.500000000e+00, v17;
	_ =	sdelay $0x1  }
0xc9: {  	s13 =	sadd.f32 $4.400000000e+02, s13;
	v17 =	vmul.f32 v17, v14;
	_ =	sdelay $0x1  }
0xca: {  	v14 =	vmov s13;
	v17 =	vmul.f32 v17, v16  }
0xcb: {  	vm0 =	vgt.f32 v16, $0.0e+00;
	s13 =	sadd.s32 $0x10, s10;
	v16 =	vadd.f32 v15, v14  }
0xcc: {  	v15 =	vor.u32 s13, v1;
	v17 =	vnsel vm0, $0x0, v17  }
0xcd: {  	s15 =	simm.s32 $0x80;
	s14 =	simm.s32 $0x0;
	s10 =	simm.s32 $0x40;
	vm0 =	vlt.s32 v15, $0x707;
	v16 =	vsub.f32 v17, v16  }
.LBB2_3:
0xce: {  	p0 =	sne.s32 s15, $0x1C0;
	v15 =	vnsel vm0, $0x707, v15  }
0xcf: {  	v15 =	vsub.s32 v15, v2;
	v16 =	vand.u32 $0x7FFFFFFF, v16  }
0xd0: {  	v16 =	vadd.f32 $-1.000000000e+00, v16;
	_ =	sdelay $0x1  }
0xd1: {  	s16 =	sshra.s32 s14, $0x2;
	s14 =	smov.u32 s10;
	s10 =	smov.u32 s15;
	v16 =	vmax.f32 v16, $0.0e+00  }
0xd2: {  	[tilespmem:s16+$0x6480] =	vst v16  }
0xd3: {  	v15 =	vld.idx.msk [tilespmem:v15+s12+$0x0], $0xffff;
	_ =	sdelay $0x5  }
0xd4: {  	v15 =	vtrunc.f32 v15  }
0xd5: {  	v15 =	vcvt.f32.s32 v15;
	_ =	sdelay $0x1  }
0xd6: {  	v15 =	vmul.u32 $0xA, v15;
	_ =	sdelay $0x2  }
0xd7: {  	v16 =	vor.u32 $0x1, v15  }
0xd8: {  	v17 =	vadd.s32 $0x2, v15;
	_ =	sdelay $0x1  }
0xd9: {  	v15 =	vld.idx.msk [tilespmem:v15+s11+$0x0], $0xffff;
	_ =	sdelay $0x1  }
0xda: {  	v16 =	vld.idx.msk [tilespmem:v16+s11+$0x0], $0xffff  }
0xdb: {  	v17 =	vld.idx.msk [tilespmem:v17+s11+$0x0], $0xffff;
	_ =	sdelay $0x2  }
0xdc: {  	v18 =	vmul.f32 v15, v11  }
0xdd: {  	v19 =	vmul.f32 v15, v5;
	v15 =	vmul.f32 v15, v8  }
0xde: {  	v20 =	vmul.f32 v16, v4;
	v21 =	vmul.f32 v16, v9  }
0xdf: {  	v16 =	vmul.f32 v16, v10;
	v22 =	vmul.f32 v17, v3  }
0xe0: {  	v19 =	vadd.f32 v20, v19;
	v15 =	vadd.f32 v21, v15;
	v20 =	vmul.f32 v17, v6  }
0xe1: {  	v16 =	vadd.f32 v16, v18;
	v17 =	vmul.f32 v17, v7  }
0xe2: {  	v18 =	vadd.f32 v22, v19;
	v15 =	vadd.f32 v20, v15  }
0xe3: {  	v16 =	vadd.f32 v17, v16  }
0xe4: {  	v17 =	vsub.f32 v18, v12;
	v15 =	vsub.f32 v15, v13;
	_ =	sdelay $0x1  }
0xe5: {  	v18 =	vsub.f32 v16, v0;
	v17 =	vmul.f32 v17, v17;
	v15 =	vmul.f32 v15, v15;
	_ =	sdelay $0x1  }
0xe6: {  	v15 =	vadd.f32 v15, v17;
	v17 =	vmul.f32 v18, v18;
	_ =	sdelay $0x1  }
0xe7: {  	v15 =	vadd.f32 v15, v17;
	_ =	sdelay $0x1  }
0xe8: {  	v17 =	vshrl.u32 v15, $0x1;
	v18 =	vmul.f32 $5.000000000e-01, v15  }
0xe9: {  	v17 =	vsub.s32 $0x5F3759DF, v17  }
0xea: {  	v19 =	vmul.f32 v17, v18;
	_ =	sdelay $0x1  }
0xeb: {  	v19 =	vmul.f32 v17, v19;
	_ =	sdelay $0x1  }
0xec: {  	v19 =	vsub.f32 $1.500000000e+00, v19;
	_ =	sdelay $0x1  }
0xed: {  	v17 =	vmul.f32 v17, v19;
	_ =	sdelay $0x1  }
0xee: {  	v19 =	vmul.f32 v17, v18;
	_ =	sdelay $0x1  }
0xef: {  	v19 =	vmul.f32 v19, v17;
	_ =	sdelay $0x1  }
0xf0: {  	v19 =	vsub.f32 $1.500000000e+00, v19;
	_ =	sdelay $0x1  }
0xf1: {  	v17 =	vmul.f32 v19, v17;
	_ =	sdelay $0x1  }
0xf2: {  	v18 =	vmul.f32 v17, v18;
	_ =	sdelay $0x1  }
0xf3: {  	v18 =	vmul.f32 v18, v17;
	_ =	sdelay $0x1  }
0xf4: {  	v18 =	vsub.f32 $1.500000000e+00, v18;
	_ =	sdelay $0x1  }
0xf5: {  	v17 =	vmul.f32 v18, v17  }
.Ltmp1:
0xf6: {  	(pc) =	sbr.rel @p0 .LBB2_3-.Ltmp1, $4  }
0xf7: {  	v17 =	vmul.f32 v17, v15  }
0xf8: {  	s13 =	sadd.s32 $0x10, s13;
	v16 =	vadd.f32 v16, v14;
	vm0 =	vgt.f32 v15, $0.0e+00  }
0xf9: {  	v15 =	vor.u32 s13, v1;
	v17 =	vnsel vm0, $0x0, v17  }
0xfa: {  	s15 =	sadd.s32 $0x40, s15;
	vm0 =	vlt.s32 v15, $0x707;
	v16 =	vsub.f32 v17, v16  }
0xfb: {  	v1 =	vnsel vm0, $0x707, v15  }
0xfc: {  	v1 =	vsub.s32 v1, v2;
	v2 =	vand.u32 $0x7FFFFFFF, v16  }
0xfd: {  	v2 =	vadd.f32 $-1.000000000e+00, v2;
	_ =	sdelay $0x1  }
0xfe: {  	s13 =	sshra.s32 s14, $0x2;
	v2 =	vmax.f32 v2, $0.0e+00  }
0xff: {  	[tilespmem:s13+$0x6480] =	vst v2  }
0x100: {  	v1 =	vld.idx.msk [tilespmem:v1+s12+$0x0], $0xffff;
	_ =	sdelay $0x4  }
0x101: {  	v1 =	vtrunc.f32 v1  }
0x102: {  	v1 =	vcvt.f32.s32 v1;
	_ =	sdelay $0x1  }
0x103: {  	v1 =	vmul.u32 $0xA, v1;
	_ =	sdelay $0x2  }
0x104: {  	v2 =	vor.u32 $0x1, v1  }
0x105: {  	v61 =	vadd.s32 $0x2, v1;
	_ =	sdelay $0x1  }
0x106: {  	v1 =	vld.idx.msk [tilespmem:v1+s11+$0x0], $0xffff;
	_ =	sdelay $0x1  }
0x107: {  	v2 =	vld.idx.msk [tilespmem:v2+s11+$0x0], $0xffff  }
0x108: {  	v15 =	vld.idx.msk [tilespmem:v61+s11+$0x0], $0xffff;
	_ =	sdelay $0x1  }
0x109: {  	v11 =	vmul.f32 v1, v11  }
0x10a: {  	v5 =	vmul.f32 v1, v5;
	v1 =	vmul.f32 v1, v8  }
0x10b: {  	v4 =	vmul.f32 v2, v4;
	v62 =	vmul.f32 v2, v9  }
0x10c: {  	v3 =	vmul.f32 v15, v3;
	v2 =	vmul.f32 v2, v10  }
0x10d: {  	v4 =	vadd.f32 v4, v5;
	v1 =	vadd.f32 v62, v1;
	v5 =	vmul.f32 v15, v6  }
0x10e: {  	v2 =	vadd.f32 v2, v11;
	v6 =	vmul.f32 v15, v7  }
0x10f: {  	v3 =	vadd.f32 v3, v4;
	v1 =	vadd.f32 v5, v1  }
0x110: {  	v2 =	vadd.f32 v6, v2  }
0x111: {  	v3 =	vsub.f32 v3, v12;
	v1 =	vsub.f32 v1, v13;
	_ =	sdelay $0x1  }
0x112: {  	v0 =	vsub.f32 v2, v0;
	v3 =	vmul.f32 v3, v3;
	v1 =	vmul.f32 v1, v1;
	_ =	sdelay $0x1  }
0x113: {  	v0 =	vmul.f32 v0, v0;
	v1 =	vadd.f32 v1, v3;
	_ =	sdelay $0x1  }
0x114: {  	v1 =	vadd.f32 v1, v0;
	_ =	sdelay $0x1  }
0x115: {  	v0 =	vshrl.u32 v1, $0x1;
	v3 =	vmul.f32 $5.000000000e-01, v1  }
0x116: {  	v0 =	vsub.s32 $0x5F3759DF, v0  }
0x117: {  	v4 =	vmul.f32 v0, v3;
	_ =	sdelay $0x1  }
0x118: {  	v4 =	vmul.f32 v0, v4;
	_ =	sdelay $0x1  }
0x119: {  	v4 =	vsub.f32 $1.500000000e+00, v4;
	_ =	sdelay $0x1  }
0x11a: {  	v0 =	vmul.f32 v0, v4;
	_ =	sdelay $0x1  }
0x11b: {  	v4 =	vmul.f32 v0, v3;
	_ =	sdelay $0x1  }
0x11c: {  	v4 =	vmul.f32 v4, v0;
	_ =	sdelay $0x1  }
0x11d: {  	v4 =	vsub.f32 $1.500000000e+00, v4;
	_ =	sdelay $0x1  }
0x11e: {  	v0 =	vmul.f32 v4, v0;
	_ =	sdelay $0x1  }
0x11f: {  	v3 =	vmul.f32 v0, v3;
	_ =	sdelay $0x1  }
0x120: {  	v3 =	vmul.f32 v3, v0;
	_ =	sdelay $0x1  }
0x121: {  	v3 =	vsub.f32 $1.500000000e+00, v3;
	_ =	sdelay $0x1  }
0x122: {  	v3 =	vmul.f32 v3, v0  }
0x123: {  	v0 =	vlaneseq.u32  }
0x124: {  	v4 =	vor.u32 s3, v0;
	v3 =	vmul.f32 v3, v1  }
0x125: {  	vm13 =	vgt.f32 v1, $0.0e+00;
	v1 =	vadd.f32 v2, v14;
	vm1 =	vlt.s32 v4, $0x197C  }
0x126: {  	v2 =	vnsel vm13, $0x0, v3;
	v3 =	vnsel vm1, $0x197C, v4  }
0x127: {  	v2 =	vsub.f32 v2, v1;
	v1 =	vmov s9;
	v4 =	vshll.u32 v3, $0x1  }
0x128: {  	v4 =	vsub.s32 v4, v1  }
0x129: {  	v2 =	vand.u32 $0x7FFFFFFF, v2;
	v5 =	vor.u32 $0x1, v4  }
0x12a: {  	v2 =	vadd.f32 $-1.000000000e+00, v2;
	_ =	sdelay $0x1  }
0x12b: {  	s31 =	sshra.s32 s10, $0x2;
	v2 =	vmax.f32 v2, $0.0e+00  }
0x12c: {  	s10 =	simm.s32 $0x5E80;
	[tilespmem:s31+$0x6480] =	vst v2  }
0x12d: {  	v2 =	vld.idx.msk [tilespmem:v5+s10+$0x0], $0xffff  }
0x12e: {  	v4 =	vld.idx.msk [tilespmem:v4+s10+$0x0], $0xffff;
	_ =	sdelay $0x3  }
0x12f: {  	v2 =	vtrunc.f32 v2  }
0x130: {  	v4 =	vtrunc.f32 v4;
	v2 =	vcvt.f32.s32 v2  }
0x131: {  	v4 =	vcvt.f32.s32 v4  }
0x132: {  	v2 =	vmul.u32 $0xA, v2  }
0x133: {  	v4 =	vmul.u32 $0xA, v4;
	_ =	sdelay $0x1  }
0x134: {  	v5 =	vor.u32 $0x1, v2  }
0x135: {  	v6 =	vor.u32 $0x1, v4  }
0x136: {  	s9 =	simm.s32 $0x0;
	v7 =	vadd.s32 $0x2, v2  }
0x137: {  	v63 =	vadd.s32 $0x2, v4;
	v2 =	vld.idx.msk [tilespmem:v2+s9+$0x0], $0xffff  }
0x138: {  	v4 =	vld.idx.msk [tilespmem:v4+s9+$0x0], $0xffff  }
0x139: {  	v5 =	vld.idx.msk [tilespmem:v5+s9+$0x0], $0xffff  }
0x13a: {  	v6 =	vld.idx.msk [tilespmem:v6+s9+$0x0], $0xffff  }
0x13b: {  	v7 =	vld.idx.msk [tilespmem:v7+s9+$0x0], $0xffff  }
0x13c: {  	v8 =	vld.idx.msk [tilespmem:v63+s9+$0x0], $0xffff;
	_ =	sdelay $0x2  }
0x13d: {  	v2 =	vsub.f32 v4, v2;
	v4 =	vsub.f32 v6, v5;
	_ =	sdelay $0x1  }
0x13e: {  	v5 =	vsub.f32 v8, v7;
	v2 =	vmul.f32 v2, v2;
	v4 =	vmul.f32 v4, v4;
	_ =	sdelay $0x1  }
0x13f: {  	v2 =	vadd.f32 v4, v2;
	v4 =	vmul.f32 v5, v5;
	_ =	sdelay $0x1  }
0x140: {  	v4 =	vadd.f32 v4, v2;
	_ =	sdelay $0x1  }
0x141: {  	v2 =	vshrl.u32 v4, $0x1;
	v5 =	vmul.f32 $5.000000000e-01, v4  }
0x142: {  	v2 =	vsub.s32 $0x5F3759DF, v2  }
0x143: {  	v6 =	vmul.f32 v2, v5;
	_ =	sdelay $0x1  }
0x144: {  	v6 =	vmul.f32 v2, v6;
	_ =	sdelay $0x1  }
0x145: {  	v6 =	vsub.f32 $1.500000000e+00, v6;
	_ =	sdelay $0x1  }
0x146: {  	v2 =	vmul.f32 v2, v6;
	_ =	sdelay $0x1  }
0x147: {  	v6 =	vmul.f32 v2, v5;
	_ =	sdelay $0x1  }
0x148: {  	v6 =	vmul.f32 v6, v2;
	_ =	sdelay $0x1  }
0x149: {  	v6 =	vsub.f32 $1.500000000e+00, v6;
	_ =	sdelay $0x1  }
0x14a: {  	v6 =	vmul.f32 v6, v2;
	_ =	sdelay $0x1  }
0x14b: {  	v2 =	vmov s8;
	v5 =	vmul.f32 v6, v5  }
0x14c: {  	v3 =	vsub.s32 v3, v2  }
0x14d: {  	v5 =	vmul.f32 v5, v6;
	_ =	sdelay $0x1  }
0x14e: {  	v5 =	vsub.f32 $1.500000000e+00, v5  }
0x14f: {  	s11 =	simm.s32 $0x6200  }
0x150: {  	v7 =	vld.idx.msk [tilespmem:v3+s11+$0x0], $0xffff;
	v3 =	vmul.f32 v5, v6;
	_ =	sdelay $0x1  }
0x151: {  	v3 =	vmul.f32 v3, v4  }
0x152: {  	s12 =	sadd.s32 $0x10, s3;
	vm14 =	vgt.f32 v4, $0.0e+00  }
0x153: {  	v5 =	vor.u32 s12, v0;
	v3 =	vnsel vm14, $0x0, v3  }
0x154: {  	vm15 =	vlt.s32 v5, $0x197C;
	v4 =	vsub.f32 v3, v7  }
0x155: {  	s14 =	simm.s32 $0x80;
	s13 =	simm.s32 $0x0;
	s8 =	simm.s32 $0x40;
	v3 =	vnsel vm15, $0x197C, v5;
	v5 =	vmul.f32 $-7.000000220e-03, v7  }
.LBB2_5:
0x156: {  	p0 =	sne.s32 s14, $0x640;
	v6 =	vshll.u32 v3, $0x1;
	v4 =	vand.u32 $0x7FFFFFFF, v4  }
0x157: {  	v6 =	vsub.s32 v6, v1;
	v4 =	vadd.f32 v5, v4  }
0x158: {  	v5 =	vor.u32 $0x1, v6  }
0x159: {  	v4 =	vmax.f32 v4, $0.0e+00  }
0x15a: {  	v4 =	vmul.f32 $1.000000000e+02, v4  }
0x15b: {  	s15 =	sshra.s32 s13, $0x2;
	s13 =	smov.u32 s8;
	s8 =	smov.u32 s14  }
0x15c: {  	[tilespmem:s15+$0x6500] =	vst v4  }
0x15d: {  	v4 =	vld.idx.msk [tilespmem:v5+s10+$0x0], $0xffff;
	_ =	sdelay $0x1  }
0x15e: {  	v5 =	vld.idx.msk [tilespmem:v6+s10+$0x0], $0xffff;
	_ =	sdelay $0x3  }
0x15f: {  	v4 =	vtrunc.f32 v4  }
0x160: {  	v4 =	vcvt.f32.s32 v4  }
0x161: {  	v5 =	vtrunc.f32 v5  }
0x162: {  	v5 =	vcvt.f32.s32 v5;
	v4 =	vmul.u32 $0xA, v4;
	_ =	sdelay $0x1  }
0x163: {  	v5 =	vmul.u32 $0xA, v5;
	v6 =	vor.u32 $0x1, v4;
	_ =	sdelay $0x1  }
0x164: {  	v7 =	vor.u32 $0x1, v5  }
0x165: {  	v8 =	vadd.s32 $0x2, v4  }
0x166: {  	v9 =	vadd.s32 $0x2, v5;
	v4 =	vld.idx.msk [tilespmem:v4+s9+$0x0], $0xffff  }
0x167: {  	v6 =	vld.idx.msk [tilespmem:v6+s9+$0x0], $0xffff  }
0x168: {  	v5 =	vld.idx.msk [tilespmem:v5+s9+$0x0], $0xffff  }
0x169: {  	v7 =	vld.idx.msk [tilespmem:v7+s9+$0x0], $0xffff  }
0x16a: {  	v8 =	vld.idx.msk [tilespmem:v8+s9+$0x0], $0xffff  }
0x16b: {  	v9 =	vld.idx.msk [tilespmem:v9+s9+$0x0], $0xffff;
	_ =	sdelay $0x3  }
0x16c: {  	v4 =	vsub.f32 v5, v4;
	v5 =	vsub.f32 v7, v6;
	_ =	sdelay $0x1  }
0x16d: {  	v4 =	vmul.f32 v4, v4;
	v6 =	vsub.f32 v9, v8;
	v5 =	vmul.f32 v5, v5;
	_ =	sdelay $0x1  }
0x16e: {  	v4 =	vadd.f32 v5, v4;
	v5 =	vmul.f32 v6, v6;
	_ =	sdelay $0x1  }
0x16f: {  	v4 =	vadd.f32 v5, v4;
	_ =	sdelay $0x1  }
0x170: {  	v5 =	vshrl.u32 v4, $0x1;
	v6 =	vmul.f32 $5.000000000e-01, v4  }
0x171: {  	v5 =	vsub.s32 $0x5F3759DF, v5  }
0x172: {  	v7 =	vmul.f32 v5, v6;
	_ =	sdelay $0x1  }
0x173: {  	v7 =	vmul.f32 v5, v7;
	_ =	sdelay $0x1  }
0x174: {  	v7 =	vsub.f32 $1.500000000e+00, v7;
	_ =	sdelay $0x1  }
0x175: {  	v5 =	vmul.f32 v5, v7;
	_ =	sdelay $0x1  }
0x176: {  	v7 =	vmul.f32 v5, v6;
	_ =	sdelay $0x1  }
0x177: {  	v7 =	vmul.f32 v7, v5;
	_ =	sdelay $0x1  }
0x178: {  	v7 =	vsub.f32 $1.500000000e+00, v7;
	_ =	sdelay $0x1  }
0x179: {  	v5 =	vmul.f32 v7, v5;
	_ =	sdelay $0x1  }
0x17a: {  	v3 =	vsub.s32 v3, v2;
	v6 =	vmul.f32 v5, v6;
	_ =	sdelay $0x1  }
0x17b: {  	v6 =	vmul.f32 v6, v5;
	_ =	sdelay $0x1  }
0x17c: {  	v6 =	vsub.f32 $1.500000000e+00, v6  }
0x17d: {  	v7 =	vld.idx.msk [tilespmem:v3+s11+$0x0], $0xffff  }
0x17e: {  	v3 =	vmul.f32 v6, v5;
	_ =	sdelay $0x1  }
.Ltmp2:
0x17f: {  	v3 =	vmul.f32 v3, v4;
	(pc) =	sbr.rel @p0 .LBB2_5-.Ltmp2, $4  }
0x180: {  	s12 =	sadd.s32 $0x10, s12;
	vm0 =	vgt.f32 v4, $0.0e+00  }
0x181: {  	v5 =	vor.u32 s12, v0;
	v3 =	vnsel vm0, $0x0, v3  }
0x182: {  	vm0 =	vlt.s32 v5, $0x197C;
	v4 =	vsub.f32 v3, v7  }
0x183: {  	s14 =	sadd.s32 $0x40, s14;
	v3 =	vnsel vm0, $0x197C, v5;
	v5 =	vmul.f32 $-7.000000220e-03, v7  }
0x184: {  	v0 =	vshll.u32 v3, $0x1;
	v4 =	vand.u32 $0x7FFFFFFF, v4  }
0x185: {  	v0 =	vsub.s32 v0, v1;
	v53 =	vadd.f32 v5, v4  }
0x186: {  	v54 =	vor.u32 $0x1, v0  }
0x187: {  	v1 =	vmax.f32 v53, $0.0e+00  }
0x188: {  	v1 =	vmul.f32 $1.000000000e+02, v1  }
0x189: {  	s12 =	sshra.s32 s13, $0x2  }
0x18a: {  	[tilespmem:s12+$0x6500] =	vst v1  }
0x18b: {  	v1 =	vld.idx.msk [tilespmem:v54+s10+$0x0], $0xffff  }
0x18c: {  	v0 =	vld.idx.msk [tilespmem:v0+s10+$0x0], $0xffff;
	_ =	sdelay $0x3  }
0x18d: {  	v1 =	vtrunc.f32 v1  }
0x18e: {  	v0 =	vtrunc.f32 v0;
	v1 =	vcvt.f32.s32 v1  }
0x18f: {  	v0 =	vcvt.f32.s32 v0  }
0x190: {  	v1 =	vmul.u32 $0xA, v1  }
0x191: {  	v0 =	vmul.u32 $0xA, v0;
	_ =	sdelay $0x1  }
0x192: {  	v55 =	vor.u32 $0x1, v1  }
0x193: {  	v56 =	vor.u32 $0x1, v0  }
0x194: {  	v6 =	vadd.s32 $0x2, v1  }
0x195: {  	v7 =	vadd.s32 $0x2, v0;
	v1 =	vld.idx.msk [tilespmem:v1+s9+$0x0], $0xffff  }
0x196: {  	v0 =	vld.idx.msk [tilespmem:v0+s9+$0x0], $0xffff  }
0x197: {  	v4 =	vld.idx.msk [tilespmem:v55+s9+$0x0], $0xffff  }
0x198: {  	v5 =	vld.idx.msk [tilespmem:v56+s9+$0x0], $0xffff  }
0x199: {  	v6 =	vld.idx.msk [tilespmem:v6+s9+$0x0], $0xffff  }
0x19a: {  	v7 =	vld.idx.msk [tilespmem:v7+s9+$0x0], $0xffff;
	_ =	sdelay $0x2  }
0x19b: {  	v0 =	vsub.f32 v0, v1;
	v57 =	vsub.f32 v5, v4;
	_ =	sdelay $0x1  }
0x19c: {  	v58 =	vsub.f32 v7, v6;
	v0 =	vmul.f32 v0, v0;
	v1 =	vmul.f32 v57, v57;
	_ =	sdelay $0x1  }
0x19d: {  	v59 =	vmul.f32 v58, v58;
	v0 =	vadd.f32 v1, v0;
	_ =	sdelay $0x1  }
0x19e: {  	v0 =	vadd.f32 v59, v0;
	_ =	sdelay $0x1  }
0x19f: {  	v1 =	vshrl.u32 v0, $0x1;
	v60 =	vmul.f32 $5.000000000e-01, v0  }
0x1a0: {  	v1 =	vsub.s32 $0x5F3759DF, v1  }
0x1a1: {  	v61 =	vmul.f32 v1, v60;
	_ =	sdelay $0x1  }
0x1a2: {  	v5 =	vmul.f32 v1, v61;
	_ =	sdelay $0x1  }
0x1a3: {  	v5 =	vsub.f32 $1.500000000e+00, v5;
	_ =	sdelay $0x1  }
0x1a4: {  	v1 =	vmul.f32 v1, v5;
	_ =	sdelay $0x1  }
0x1a5: {  	v5 =	vmul.f32 v1, v60;
	_ =	sdelay $0x1  }
0x1a6: {  	v5 =	vmul.f32 v5, v1;
	_ =	sdelay $0x1  }
0x1a7: {  	v5 =	vsub.f32 $1.500000000e+00, v5;
	_ =	sdelay $0x1  }
0x1a8: {  	v1 =	vmul.f32 v5, v1;
	_ =	sdelay $0x1  }
0x1a9: {  	v4 =	vmul.f32 v1, v60  }
0x1aa: {  	v2 =	vsub.s32 v3, v2  }
0x1ab: {  	v62 =	vmul.f32 v4, v1;
	_ =	sdelay $0x1  }
0x1ac: {  	v3 =	vsub.f32 $1.500000000e+00, v62;
	_ =	sdelay $0x1  }
0x1ad: {  	v2 =	vld.idx.msk [tilespmem:v2+s11+$0x0], $0xffff;
	v1 =	vmul.f32 v3, v1;
	_ =	sdelay $0x1  }
0x1ae: {  	v1 =	vmul.f32 v1, v0  }
0x1af: {  	vm0 =	vgt.f32 v0, $0.0e+00  }
0x1b0: {  	v0 =	vnsel vm0, $0x0, v1  }
0x1b1: {  	v0 =	vsub.f32 v0, v2  }
0x1b2: {  	v63 =	vmul.f32 $-7.000000220e-03, v2  }
0x1b3: {  	v0 =	vand.u32 $0x7FFFFFFF, v0  }
0x1b4: {  	v0 =	vadd.f32 v63, v0;
	_ =	sdelay $0x1  }
0x1b5: {  	v0 =	vmax.f32 v0, $0.0e+00  }
0x1b6: {  	v0 =	vmul.f32 $1.000000000e+02, v0  }
0x1b7: {  	s8 =	sshra.s32 s8, $0x2;
	s23 =	sshll.u32 s1, $0x4;
	s24 =	simm.s32 $0x0  }
0x1b8: {  	s25 =	simm.s32 $0x6480;
	s26 =	simm.s32 $0x3;
	s7 =	sadd.s32 s7, s23;
	[tilespmem:s8+$0x6500] =	vst v0  }
0x1b9: {  	[hbm4b:s7+s24] =	stream.linear.scatter [tilespmem:s25], [sflag:$0x3], $0x80, $0x38;
	[tilespmem:$0x6900] =	vst v63  }
0x1ba: {  	_ =	swait.ge [sflag:s26], $0x80  }
0x1bb: {  	s3 =	sshrl.u32 s3, $0x3;
	[sflag:s26] =	ssyncset.done $0x0  }
0x1bc: {  	s28 =	simm.s32 $0x6500;
	s3 =	sadd.s32 s6, s3;
	[sflag:s26] =	ssyncadd.s32 $0xFFFFFF80  }
0x1bd: {  	[hbm4b:s3+s24] =	stream.linear.scatter [tilespmem:s28], [sflag:$0x3], $0x1A0, $0x38;
	[tilespmem:$0x6900] =	vst v63  }
0x1be: {  	_ =	swait.ge [sflag:s26], $0x1A0  }
0x1bf: {  	s2 =	sshrl.u32 s2, $0x3;
	[sflag:s26] =	ssyncset.done $0x0  }
0x1c0: {  	s30 =	simm.s32 $0x6700;
	s29 =	sadd.s32 s5, s2;
	[sflag:s26] =	ssyncadd.s32 $0xFFFFFE60  }
0x1c1: {  	[hbm4b:s29+s24] =	stream.linear.scatter [tilespmem:s30], [sflag:$0x3], $0x90, $0x38;
	[tilespmem:$0x6900] =	vst v63  }
0x1c2: {  	_ =	swait.ge [sflag:s26], $0x90  }
0x1c3: {  	[sflag:s26] =	ssyncset.done $0x0  }
0x1c4: {  	s31 =	simm.s32 $0x6800;
	s2 =	sadd.s32 s4, s2;
	[sflag:s26] =	ssyncadd.s32 $0xFFFFFF70  }
0x1c5: {  	[hbm4b:s2+s24] =	stream.linear.scatter [tilespmem:s31], [sflag:$0x3], $0x90, $0x38;
	[tilespmem:$0x6900] =	vst v63  }
0x1c6: {  	_ =	swait.ge [sflag:s26], $0x90  }
0x1c7: {  	[sflag:s26] =	ssyncset.done $0x0  }
0x1c8: {  	[sflag:s26] =	ssyncadd.s32 $0xFFFFFF70  }
0x1c9: {  	_ =	sfence.sel $0x180000  }
0x1ca: {  	[bflag:$0x0] =	sbarrier.arrive $0xFFFF  }
0x1cb: {  	p0 =	sne.s32 s1, $0x0;
	_ =	strace $0x90000047  }
0x1cc: {  	s0 =	sadd.s32 @!p0 $0x100000, s0;
	[bflag:$0x2] =	sbarrier.arrive $0xFFFF  }
0x1cd: {  	[sflag:s0] =	ssyncadd.tile.s32 @!p0 $0x1;
	_ =	shalt  }
.Lfunc_end2:
_tile_overlayer_lowered:
.L_overlay_start_2:
0x1ce: {  	(tag) =	ssettag $0x2  }
0x1cf: {  	s0 =	rddreg [dreg:$0x0];
	s2 =	stileid.u32  }
0x1d0: {  	s1 =	rddreg [dreg:$0x1];
	p0 =	sne.s32 s2, $0x0  }
0x1d1: {  	s3 =	rddreg [dreg:$0x2];
	[bflag:$0x3] =	sbarrier.arrive $0xFFFF;
	s2 =	simm.s32 @!p0 $0x1C03  }
0x1d2: {  	[timem:s3], [sflag:s2] =	dma.local @!p0 [hbm:s0], s1  }
0x1d3: {  	s0 =	simm.s32 @!p0 $0x3  }
0x1d4: {  	_ =	swait.ge @!p0 [sflag:s0], s1  }
0x1d5: {  	s1 =	ssub.s32 @!p0 $0x0, s1;
	[sflag:s0] =	ssyncset.done @!p0 $0x0  }
0x1d6: {  	[sflag:s0] =	ssyncadd.s32 @!p0 s1  }
0x1d7: {  	[bflag:$0x3] =	sbarrier.arrive $0xFFFF  }
0x1d8: {  	_ =	shalt  }

</sc_bundles>
